<compile_context>
chip_gen: v7x
topology: tpu7x:2x2x1
jax: 0.10.2.dev20260603
libtpu: 0.0.44.dev20260713+nightly
codegen_flags: <defaults>
</compile_context>

<pallas_src>
import jax
import jax.numpy as jnp
from jax import lax
from jax.experimental import pallas as pl
from jax.experimental.pallas import tpu as pltpu
from jax.experimental.pallas import tpu_sc as plsc

N = 10000
E = 320000
D = 128
G = 64

NC = 2
NS = 16
NW = NC * NS
CHUNK = 128
KW = 80
KWF = 152
KWS = 8
KB = 8
E_PAD = NW * KW * CHUNK
NROWS = 10112
RT = NROWS // NS

BSR = 1000
NB = N // BSR

_f32 = jnp.float32


_SC_MESH = dict(core_axis_name="core", subcore_axis_name="subcore")


def _sc_sum_body(table, srcc, dstc, zeros_d, sums_o, src_t, dst_t, rowsb,
                 acc, sem):
    c = lax.axis_index("core")
    s = lax.axis_index("subcore")

    kw = jnp.where(c == 0, KWF, KWS)
    row0 = jnp.where(c == 0, s * KWF, NS * KWF + s * KWS)

    pltpu.sync_copy(zeros_d, acc.at[pl.ds(s * RT, RT)])
    plsc.subcore_barrier()

    rows0 = rowsb.at[pl.ds(0, CHUNK)]
    rows1 = rowsb.at[pl.ds(CHUNK, CHUNK)]

    @pl.loop(0, kw // KB)
    def _(p):
        base = row0 + p * KB
        pltpu.sync_copy(srcc.at[pl.ds(base, KB)], src_t)
        pltpu.sync_copy(dstc.at[pl.ds(base, KB)], dst_t)
        pltpu.async_copy(table.at[src_t.at[0]], rows0, sem)
        pltpu.async_copy(table.at[src_t.at[1]], rows1, sem)

        @pl.loop(0, KB // 2)
        def _(j2):
            j = j2 * 2
            pltpu.make_async_copy(table.at[src_t.at[j]], rows0, sem).wait()
            pltpu.sync_copy(rows0, acc.at[dst_t.at[j]], add=True)

            @pl.when(j2 < KB // 2 - 1)
            def _():
                pltpu.async_copy(table.at[src_t.at[j + 2]], rows0, sem)

            pltpu.make_async_copy(table.at[src_t.at[j + 1]], rows1,
                                  sem).wait()
            pltpu.sync_copy(rows1, acc.at[dst_t.at[j + 1]], add=True)

            @pl.when(j2 < KB // 2 - 1)
            def _():
                pltpu.async_copy(table.at[src_t.at[j + 3]], rows1, sem)

    plsc.subcore_barrier()
    pltpu.sync_copy(acc.at[pl.ds(s * RT, RT)],
                    sums_o.at[c].at[pl.ds(s * RT, RT)])


def _sc_sum(table, srcc, dstc, zeros_d):
    mesh = plsc.VectorSubcoreMesh(**_SC_MESH)
    fn = pl.kernel(
        _sc_sum_body,
        out_type=jax.ShapeDtypeStruct((NC, NROWS, D), _f32),
        mesh=mesh,
        scratch_types=[
            pltpu.VMEM((KB, CHUNK), jnp.int32),
            pltpu.VMEM((KB, CHUNK), jnp.int32),
            pltpu.VMEM((2 * CHUNK, D), _f32),
            pltpu.VMEM_SHARED((NROWS, D), _f32),
            pltpu.SemaphoreType.DMA,
        ],
    )
    return fn(table, srcc, dstc, zeros_d)


def _sc_deg_body(dstc, zeros_d, ones_d, degs_o, dst_t, ones_t, dacc):
    c = lax.axis_index("core")
    s = lax.axis_index("subcore")
    w = s * NC + c

    pltpu.sync_copy(zeros_d, dacc.at[pl.ds(s * RT, RT)])
    pltpu.sync_copy(ones_d, ones_t)
    pltpu.sync_copy(dstc.at[pl.ds(w * KW, KW)], dst_t)
    plsc.subcore_barrier()

    @pl.loop(0, KW)
    def _(j):
        pltpu.sync_copy(ones_t, dacc.at[dst_t.at[j]], add=True)

    plsc.subcore_barrier()
    pltpu.sync_copy(dacc.at[pl.ds(s * RT, RT)],
                    degs_o.at[c].at[pl.ds(s * RT, RT)])


def _sc_deg(dstc, zeros_d, ones_d):
    mesh = plsc.VectorSubcoreMesh(**_SC_MESH)
    fn = pl.kernel(
        _sc_deg_body,
        out_type=jax.ShapeDtypeStruct((NC, NROWS, D), _f32),
        mesh=mesh,
        scratch_types=[
            pltpu.VMEM((KW, CHUNK), jnp.int32),
            pltpu.VMEM((CHUNK, D), _f32),
            pltpu.VMEM_SHARED((NROWS, D), _f32),
        ],
    )
    return fn(dstc, zeros_d, ones_d)


def _tc_pre_body(x_ref, wl_ref, wr_ref, b_ref, y_ref, r_ref):
    xx = x_ref[...]
    y_ref[...] = jnp.dot(xx, wl_ref[...], preferred_element_type=_f32)
    r_ref[...] = jnp.dot(xx, wr_ref[...],
                         preferred_element_type=_f32) + b_ref[...]


def _tc_pre(x, W_l, W_r, b):
    return pl.pallas_call(
        _tc_pre_body,
        grid=(NB,),
        in_specs=[
            pl.BlockSpec((BSR, D), lambda i: (i, 0)),
            pl.BlockSpec((D, D), lambda i: (0, 0)),
            pl.BlockSpec((D, D), lambda i: (0, 0)),
            pl.BlockSpec((1, D), lambda i: (0, 0)),
        ],
        out_specs=[
            pl.BlockSpec((BSR, D), lambda i: (i, 0)),
            pl.BlockSpec((BSR, D), lambda i: (i, 0)),
        ],
        out_shape=[
            jax.ShapeDtypeStruct((N, D), _f32),
            jax.ShapeDtypeStruct((N, D), _f32),
        ],
    )(x, W_l, W_r, b)


def _elu(v):
    return jnp.where(v > 0, v, jnp.exp(jnp.where(v > 0, 0.0, v)) - 1.0)


def _tc_mid_body(sa_ref, sb_ref, da_ref, db_ref, r_ref, wl_ref, wr_ref,
                 b_ref, y_ref, ro_ref):
    deg = jnp.maximum(da_ref[...][:, :1] + db_ref[...][:, :1], 1.0)
    h = _elu((sa_ref[...] + sb_ref[...]) / deg + r_ref[...])
    y_ref[...] = jnp.dot(h, wl_ref[...], preferred_element_type=_f32)
    ro_ref[...] = jnp.dot(h, wr_ref[...],
                          preferred_element_type=_f32) + b_ref[...]


def _tc_mid(sa, sb, da, db, r, W_l, W_r, b):
    return pl.pallas_call(
        _tc_mid_body,
        grid=(NB,),
        in_specs=[
            pl.BlockSpec((BSR, D), lambda i: (i, 0)),
            pl.BlockSpec((BSR, D), lambda i: (i, 0)),
            pl.BlockSpec((BSR, D), lambda i: (i, 0)),
            pl.BlockSpec((BSR, D), lambda i: (i, 0)),
            pl.BlockSpec((BSR, D), lambda i: (i, 0)),
            pl.BlockSpec((D, D), lambda i: (0, 0)),
            pl.BlockSpec((D, D), lambda i: (0, 0)),
            pl.BlockSpec((1, D), lambda i: (0, 0)),
        ],
        out_specs=[
            pl.BlockSpec((BSR, D), lambda i: (i, 0)),
            pl.BlockSpec((BSR, D), lambda i: (i, 0)),
        ],
        out_shape=[
            jax.ShapeDtypeStruct((N, D), _f32),
            jax.ShapeDtypeStruct((N, D), _f32),
        ],
    )(sa, sb, da, db, r, W_l, W_r, b)


def _tc_fin_body(sa_ref, sb_ref, da_ref, db_ref, r_ref, bt_ref, mk_ref,
                 wo_ref, bo_ref, o_ref, acc, cnt):
    i = pl.program_id(0)

    @pl.when(i == 0)
    def _():
        acc[...] = jnp.zeros((G, D), _f32)
        cnt[...] = jnp.zeros((G, 1), _f32)

    deg = jnp.maximum(da_ref[...][:, :1] + db_ref[...][:, :1], 1.0)
    h = _elu((sa_ref[...] + sb_ref[...]) / deg + r_ref[...])
    mk = mk_ref[...]
    hm = h * mk
    b_row = bt_ref[0]
    g_iota = lax.broadcasted_iota(jnp.int32, (G, BSR), 0).astype(_f32)
    oht = (jnp.abs(g_iota - b_row) < 0.5).astype(_f32)
    acc[...] += jnp.dot(oht, hm, preferred_element_type=_f32)
    cnt[...] += jnp.dot(oht, mk, preferred_element_type=_f32)

    @pl.when(i == NB - 1)
    def _():
        pooled = acc[...] / jnp.maximum(cnt[...], 1.0)
        o_ref[...] = jnp.dot(pooled, wo_ref[...],
                             preferred_element_type=_f32) + bo_ref[...]


def _tc_fin(sa, sb, da, db, r, bt3, mk, W_out, b_out):
    return pl.pallas_call(
        _tc_fin_body,
        grid=(NB,),
        in_specs=[
            pl.BlockSpec((BSR, D), lambda i: (i, 0)),
            pl.BlockSpec((BSR, D), lambda i: (i, 0)),
            pl.BlockSpec((BSR, D), lambda i: (i, 0)),
            pl.BlockSpec((BSR, D), lambda i: (i, 0)),
            pl.BlockSpec((BSR, D), lambda i: (i, 0)),
            pl.BlockSpec((1, 1, BSR), lambda i: (i, 0, 0)),
            pl.BlockSpec((BSR, 1), lambda i: (i, 0)),
            pl.BlockSpec((D, 1), lambda i: (0, 0)),
            pl.BlockSpec((1, 1), lambda i: (0, 0)),
        ],
        out_specs=pl.BlockSpec((G, 1), lambda i: (0, 0)),
        out_shape=jax.ShapeDtypeStruct((G, 1), _f32),
        scratch_shapes=[
            pltpu.VMEM((G, D), _f32),
            pltpu.VMEM((G, 1), _f32),
        ],
    )(sa, sb, da, db, r, bt3, mk, W_out, b_out)


def kernel(x, edge_index, mask, batch_tensor,
           W_l0, b_l0, W_r0, W_l1, b_l1, W_r1, W_out, b_out):
    x = x.astype(_f32)
    src = edge_index[0].astype(jnp.int32)
    dst = edge_index[1].astype(jnp.int32)
    pad = E_PAD - E
    srcc = jnp.concatenate([src, jnp.zeros((pad,), jnp.int32)]
                           ).reshape(NW * KW, CHUNK)
    pad_dst = N + jnp.arange(pad, dtype=jnp.int32) % (NROWS - N)
    dstc = jnp.concatenate([dst, pad_dst]).reshape(NW * KW, CHUNK)
    zeros_d = jnp.zeros((RT, D), _f32)
    ones_d = jnp.ones((CHUNK, D), _f32)
    mk = mask.astype(_f32).reshape(N, 1)
    bt3 = batch_tensor.astype(_f32).reshape(NB, 1, BSR)
    b_l0r = b_l0.reshape(1, D)
    b_l1r = b_l1.reshape(1, D)
    b_outr = b_out.reshape(1, 1)

    deg = _sc_deg(dstc, zeros_d, ones_d)
    y0, r0 = _tc_pre(x, W_l0, W_r0, b_l0r)
    s0 = _sc_sum(y0, srcc, dstc, zeros_d)
    y1, r1 = _tc_mid(s0[0, :N], s0[1, :N], deg[0, :N], deg[1, :N],
                     r0, W_l1, W_r1, b_l1r)
    s1 = _sc_sum(y1, srcc, dstc, zeros_d)
    out = _tc_fin(s1[0, :N], s1[1, :N], deg[0, :N], deg[1, :N],
                  r1, bt3, mk, W_out, b_outr)
    return out

# --- scband reference (transcript-rebuilt; emitter-appended) ---
"""Pipeline reference for scband-regress-graph-gs-128849019554 (READ-ONLY COPY).

The authoritative reference and input builder live on the scoring server;
editing this copy changes nothing except your own understanding.
"""

import jax, jax.numpy as jnp
import numpy as np

N_NODES = 10000
N_EDGES = 320000
D_FEAT = 128
HIDDEN = 128
N_GRAPHS = 64


def setup_inputs(seed: int = 0) -> dict:
    key = jax.random.key(seed)
    ks = jax.random.split(key, 12)
    x = jax.random.normal(ks[0], (N_NODES, D_FEAT), dtype=jnp.float32)
    edge_index = jax.random.randint(ks[1], (2, N_EDGES), 0, N_NODES, dtype=jnp.int64)
    mask = jnp.ones((N_NODES,), dtype=bool)
    batch_tensor = jnp.sort(jax.random.randint(ks[2], (N_NODES,), 0, N_GRAPHS, dtype=jnp.int64))
    # SAGEConv layer 0 params: lin_l (on aggregated neighbors, with bias), lin_r (on root, no bias)
    W_l0 = jax.random.normal(ks[3], (D_FEAT, HIDDEN), dtype=jnp.float32) * 0.05
    b_l0 = jnp.zeros((HIDDEN,), dtype=jnp.float32)
    W_r0 = jax.random.normal(ks[4], (D_FEAT, HIDDEN), dtype=jnp.float32) * 0.05
    # SAGEConv layer 1 params
    W_l1 = jax.random.normal(ks[5], (HIDDEN, HIDDEN), dtype=jnp.float32) * 0.05
    b_l1 = jnp.zeros((HIDDEN,), dtype=jnp.float32)
    W_r1 = jax.random.normal(ks[6], (HIDDEN, HIDDEN), dtype=jnp.float32) * 0.05
    # lt1: Linear(hidden, 1)
    W_out = jax.random.normal(ks[7], (HIDDEN, 1), dtype=jnp.float32) * 0.05
    b_out = jnp.zeros((1,), dtype=jnp.float32)
    return {"x": x, "edge_index": edge_index, "mask": mask, "batch_tensor": batch_tensor,
            "W_l0": W_l0, "b_l0": b_l0, "W_r0": W_r0,
            "W_l1": W_l1, "b_l1": b_l1, "W_r1": W_r1,
            "W_out": W_out, "b_out": b_out}


def _sage_conv(x, edge_index, W_l, b_l, W_r):
    # PyG SAGEConv (aggr='mean', root_weight=True, normalize=False):
    # out_i = lin_l(mean_{j in N(i)} x_j) + lin_r(x_i)
    src = edge_index[0]
    dst = edge_index[1]
    n = x.shape[0]
    msg = jnp.take(x, src, axis=0)  # gather neighbor features
    agg_sum = jax.ops.segment_sum(msg, dst, num_segments=n)  # scatter-add
    deg = jax.ops.segment_sum(jnp.ones((src.shape[0],), dtype=x.dtype), dst, num_segments=n)
    deg = jnp.clip(deg, 1.0, None)
    agg = agg_sum / deg[:, None]
    return agg @ W_l + b_l + x @ W_r


def reference(x, edge_index, mask, batch_tensor,
              W_l0, b_l0, W_r0, W_l1, b_l1, W_r1, W_out, b_out):
    # Single graph in set_gs; dropout is identity in eval mode.
    h = x.astype(jnp.float32)
    h = _sage_conv(h, edge_index, W_l0, b_l0, W_r0)
    h = jax.nn.elu(h)
    h = _sage_conv(h, edge_index, W_l1, b_l1, W_r1)
    h = jax.nn.elu(h)
    mask_f = mask.astype(h.dtype)
    X_main = h * mask_f[:, None]
    # global_mean_pool over batch_tensor
    b = batch_tensor.astype(jnp.int32)
    pooled_sum = jax.ops.segment_sum(X_main, b, num_segments=N_GRAPHS)
    counts = jax.ops.segment_sum(mask_f, b, num_segments=N_GRAPHS)
    counts = jnp.clip(counts, 1.0, None)
    pooled = pooled_sum / counts[:, None]
    out = pooled @ W_out + b_out
    return out

if __name__ == "__main__":
    import jax
    _d = setup_inputs()
    print(jax.jit(kernel)(*tuple(_d.values())))

</pallas_src>

<mosaic_0001>
#map = affine_map<(d0, d1) -> (0, 0)>
#map1 = affine_map<(d0, d1) -> (0, 0, 0)>
module attributes {stable_mosaic.version = 14 : i64} {
  func.func @_sc_sum_body(%arg0: i32, %arg1: i32, %arg2: memref<10000x128xf32, #tpu.memory_space<hbm>>, %arg3: memref<2560x128xi32, #tpu.memory_space<hbm>>, %arg4: memref<2560x128xi32, #tpu.memory_space<hbm>>, %arg5: memref<632x128xf32, #tpu.memory_space<hbm>>, %arg6: memref<2x10112x128xf32, #tpu.memory_space<hbm>>, %arg7: memref<8x128xi32, #tpu.memory_space<vmem>>, %arg8: memref<8x128xi32, #tpu.memory_space<vmem>>, %arg9: memref<256x128xf32, #tpu.memory_space<vmem>>, %arg10: memref<10112x128xf32, #tpu.memory_space<vmem_shared>>, %arg11: memref<!tpu.dma_semaphore, #tpu.memory_space<semaphore_mem>>) attributes {dimension_semantics = [#tpu.dimension_semantics<core_parallel>, #tpu.dimension_semantics<subcore_parallel>], iteration_bounds = array<i64: 2, 16>, scalar_prefetch = 0 : i64, scratch_operands = 5 : i64, tpu.core_type = #tpu.core_type<sc_vector_subcore>, window_params = [{transform_indices = #map}, {transform_indices = #map}, {transform_indices = #map}, {transform_indices = #map}, {transform_indices = #map1}]} {
    %eq3A = arith.constant 0 : i32
    %eq3A_0 = arith.cmpi eq, %arg0, %eq3A : i32
    %jit3A = arith.constant 152 : i32
    %jit3A_1 = arith.constant 8 : i32
    %select_n3A = arith.select %eq3A_0, %jit3A, %jit3A_1 : i32
    %eq3A_2 = arith.constant 0 : i32
    %eq3A_3 = arith.cmpi eq, %arg0, %eq3A_2 : i32
    %mul3A = arith.constant 152 : i32
    %mul3A_4 = arith.muli %arg1, %mul3A : i32
    %mul3A_5 = arith.constant 8 : i32
    %mul3A_6 = arith.muli %arg1, %mul3A_5 : i32
    %add3A = arith.constant 2432 : i32
    %add3A_7 = arith.addi %add3A, %mul3A_6 : i32
    %select_n3A_8 = arith.select %eq3A_3, %mul3A_4, %add3A_7 : i32
    %mul3A_9 = arith.constant 632 : i32
    %mul3A_10 = arith.muli %arg1, %mul3A_9 : i32
    "tpu.region"() ({
      %run_scoped3A = tpu.sem_alloc : memref<!tpu.dma_semaphore, #tpu.memory_space<semaphore_mem>>
      %dma_start3A = arith.constant 0 : i32
      %dma_start3A_52 = tpu.memref_slice %arg10[%mul3A_10, %dma_start3A] : memref<10112x128xf32, #tpu.memory_space<vmem_shared>> -> memref<632x128xf32, #tpu.memory_space<vmem_shared>>
      tpu.enqueue_dma source(%arg5 : memref<632x128xf32, #tpu.memory_space<hbm>>) target(%dma_start3A_52 : memref<632x128xf32, #tpu.memory_space<vmem_shared>>) target_semaphore(%run_scoped3A : memref<!tpu.dma_semaphore, #tpu.memory_space<semaphore_mem>>)
      %dma_wait3A = arith.constant 0 : i32
      %dma_wait3A_53 = tpu.memref_slice %arg10[%mul3A_10, %dma_wait3A] : memref<10112x128xf32, #tpu.memory_space<vmem_shared>> -> memref<632x128xf32, #tpu.memory_space<vmem_shared>>
      tpu.wait_dma2 semaphore(%run_scoped3A : memref<!tpu.dma_semaphore, #tpu.memory_space<semaphore_mem>>) src(%arg5 : memref<632x128xf32, #tpu.memory_space<hbm>>) dst(%dma_wait3A_53 : memref<632x128xf32, #tpu.memory_space<vmem_shared>>)
      tpu.yield
    }) : () -> ()
    %barrier3A = arith.constant 0 : index
    tpu.barrier barrier_id(%barrier3A)
    %jit3A_11 = arith.constant 8 : i32
    %div3A = arith.divsi %select_n3A, %jit3A_11 : i32
    %sign3A = arith.constant 0 : i32
    %sign3A_12 = arith.cmpi sgt, %select_n3A, %sign3A : i32
    %sign3A_13 = arith.extui %sign3A_12 : i1 to i32
    %sign3A_14 = arith.constant 0 : i32
    %sign3A_15 = arith.cmpi slt, %select_n3A, %sign3A_14 : i32
    %sign3A_16 = arith.extui %sign3A_15 : i1 to i32
    %sign3A_17 = arith.subi %sign3A_13, %sign3A_16 : i32
    %sign3A_18 = arith.constant 0 : i32
    %sign3A_19 = arith.cmpi sgt, %jit3A_11, %sign3A_18 : i32
    %sign3A_20 = arith.extui %sign3A_19 : i1 to i32
    %sign3A_21 = arith.constant 0 : i32
    %sign3A_22 = arith.cmpi slt, %jit3A_11, %sign3A_21 : i32
    %sign3A_23 = arith.extui %sign3A_22 : i1 to i32
    %sign3A_24 = arith.subi %sign3A_20, %sign3A_23 : i32
    %ne3A = arith.cmpi ne, %sign3A_17, %sign3A_24 : i32
    %rem3A = arith.remsi %select_n3A, %jit3A_11 : i32
    %ne3A_25 = arith.constant 0 : i32
    %ne3A_26 = arith.cmpi ne, %rem3A, %ne3A_25 : i32
    %and3A = arith.andi %ne3A, %ne3A_26 : i1
    %sub3A = arith.constant 1 : i32
    %sub3A_27 = arith.subi %div3A, %sub3A : i32
    %select_n3A_28 = arith.select %and3A, %sub3A_27, %div3A : i32
    %sub3A_29 = arith.constant 0 : i32
    %sub3A_30 = arith.subi %select_n3A_28, %sub3A_29 : i32
    %sub3A_31 = arith.constant 1 : i32
    %sub3A_32 = arith.constant 1 : i32
    %sub3A_33 = arith.subi %sub3A_31, %sub3A_32 : i32
    %add3A_34 = arith.addi %sub3A_30, %sub3A_33 : i32
    %div3A_35 = arith.constant 1 : i32
    %div3A_36 = arith.divsi %add3A_34, %div3A_35 : i32
    %while3A = arith.constant 1 : i32
    %while3A_37 = arith.constant 0 : i32
    %while3A_38 = arith.constant 0 : i32
    %while3A_39 = arith.subi %div3A_36, %while3A_38 : i32
    %while3A_40 = arith.addi %while3A_38, %while3A_39 : i32
    %while3A_41 = arith.constant 1 : i32
    %while3A_42 = arith.divsi %while3A_39, %while3A_41 : i32
    %while3A_43 = arith.muli %while3A_42, %while3A_41 : i32
    %while3A_44 = arith.addi %while3A_38, %while3A_43 : i32
    %while3A_45 = arith.constant 1 : i32
    scf.for %while3A_52 = %while3A_38 to %while3A_44 step %while3A_45  : i32 {
      %mul3A_53 = arith.muli %while3A_52, %while3A : i32
      %add3A_54 = arith.addi %while3A_37, %mul3A_53 : i32
      %mul3A_55 = arith.constant 8 : i32
      %mul3A_56 = arith.muli %add3A_54, %mul3A_55 : i32
      %add3A_57 = arith.addi %select_n3A_8, %mul3A_56 : i32
      "tpu.region"() ({
        %run_scoped3A = tpu.sem_alloc : memref<!tpu.dma_semaphore, #tpu.memory_space<semaphore_mem>>
        %dma_start3A_81 = arith.constant 0 : i32
        %dma_start3A_82 = tpu.memref_slice %arg3[%add3A_57, %dma_start3A_81] : memref<2560x128xi32, #tpu.memory_space<hbm>> -> memref<8x128xi32, #tpu.memory_space<hbm>>
        %dma_start3A_83 = arith.constant 0 : i32
        %dma_start3A_84 = tpu.memref_slice %arg3[%add3A_57, %dma_start3A_83] : memref<2560x128xi32, #tpu.memory_space<hbm>> -> memref<8x128xi32, #tpu.memory_space<hbm>>
        tpu.enqueue_dma source(%dma_start3A_84 : memref<8x128xi32, #tpu.memory_space<hbm>>) target(%arg7 : memref<8x128xi32, #tpu.memory_space<vmem>>) target_semaphore(%run_scoped3A : memref<!tpu.dma_semaphore, #tpu.memory_space<semaphore_mem>>)
        %dma_wait3A = arith.constant 0 : i32
        %dma_wait3A_85 = tpu.memref_slice %arg3[%add3A_57, %dma_wait3A] : memref<2560x128xi32, #tpu.memory_space<hbm>> -> memref<8x128xi32, #tpu.memory_space<hbm>>
        %dma_wait3A_86 = arith.constant 0 : i32
        %dma_wait3A_87 = tpu.memref_slice %arg3[%add3A_57, %dma_wait3A_86] : memref<2560x128xi32, #tpu.memory_space<hbm>> -> memref<8x128xi32, #tpu.memory_space<hbm>>
        tpu.wait_dma2 semaphore(%run_scoped3A : memref<!tpu.dma_semaphore, #tpu.memory_space<semaphore_mem>>) src(%dma_wait3A_87 : memref<8x128xi32, #tpu.memory_space<hbm>>) dst(%arg7 : memref<8x128xi32, #tpu.memory_space<vmem>>)
        tpu.yield
      }) : () -> ()
      "tpu.region"() ({
        %run_scoped3A = tpu.sem_alloc : memref<!tpu.dma_semaphore, #tpu.memory_space<semaphore_mem>>
        %dma_start3A_81 = arith.constant 0 : i32
        %dma_start3A_82 = tpu.memref_slice %arg4[%add3A_57, %dma_start3A_81] : memref<2560x128xi32, #tpu.memory_space<hbm>> -> memref<8x128xi32, #tpu.memory_space<hbm>>
        %dma_start3A_83 = arith.constant 0 : i32
        %dma_start3A_84 = tpu.memref_slice %arg4[%add3A_57, %dma_start3A_83] : memref<2560x128xi32, #tpu.memory_space<hbm>> -> memref<8x128xi32, #tpu.memory_space<hbm>>
        tpu.enqueue_dma source(%dma_start3A_84 : memref<8x128xi32, #tpu.memory_space<hbm>>) target(%arg8 : memref<8x128xi32, #tpu.memory_space<vmem>>) target_semaphore(%run_scoped3A : memref<!tpu.dma_semaphore, #tpu.memory_space<semaphore_mem>>)
        %dma_wait3A = arith.constant 0 : i32
        %dma_wait3A_85 = tpu.memref_slice %arg4[%add3A_57, %dma_wait3A] : memref<2560x128xi32, #tpu.memory_space<hbm>> -> memref<8x128xi32, #tpu.memory_space<hbm>>
        %dma_wait3A_86 = arith.constant 0 : i32
        %dma_wait3A_87 = tpu.memref_slice %arg4[%add3A_57, %dma_wait3A_86] : memref<2560x128xi32, #tpu.memory_space<hbm>> -> memref<8x128xi32, #tpu.memory_space<hbm>>
        tpu.wait_dma2 semaphore(%run_scoped3A : memref<!tpu.dma_semaphore, #tpu.memory_space<semaphore_mem>>) src(%dma_wait3A_87 : memref<8x128xi32, #tpu.memory_space<hbm>>) dst(%arg8 : memref<8x128xi32, #tpu.memory_space<vmem>>)
        tpu.yield
      }) : () -> ()
      %dma_start3A = arith.constant 0 : i32
      %dma_start3A_58 = arith.constant 0 : i32
      %dma_start3A_59 = arith.constant 0 : i32
      %dma_start3A_60 = tpu.memref_slice %arg9[%dma_start3A_58, %dma_start3A_59] : memref<256x128xf32, #tpu.memory_space<vmem>> -> memref<128x128xf32, #tpu.memory_space<vmem>>
      %dma_start3A_61 = arith.constant 0 : i32
      %dma_start3A_62 = tpu.memref_slice %arg7[%dma_start3A, %dma_start3A_61] : memref<8x128xi32, #tpu.memory_space<vmem>> -> memref<1x128xi32, #tpu.memory_space<vmem>>
      %dma_start3A_63 = tpu.memref_squeeze %dma_start3A_62 : memref<1x128xi32, #tpu.memory_space<vmem>> -> memref<128xi32, #tpu.memory_space<vmem>>
      %dma_start3A_64 = arith.constant 0 : i32
      %dma_start3A_65 = arith.constant 0 : i32
      %dma_start3A_66 = tpu.memref_slice %arg2[%dma_start3A_64, %dma_start3A_65] : memref<10000x128xf32, #tpu.memory_space<hbm>> -> memref<10000x128xf32, #tpu.memory_space<hbm>>
      tpu.enqueue_indirect_dma source(%dma_start3A_66 : memref<10000x128xf32, #tpu.memory_space<hbm>>) target(%dma_start3A_60 : memref<128x128xf32, #tpu.memory_space<vmem>>) offsets(%dma_start3A_63 : memref<128xi32, #tpu.memory_space<vmem>>) semaphore(%arg11 : memref<!tpu.dma_semaphore, #tpu.memory_space<semaphore_mem>>)
      %dma_start3A_67 = arith.constant 1 : i32
      %dma_start3A_68 = arith.constant 128 : i32
      %dma_start3A_69 = arith.constant 0 : i32
      %dma_start3A_70 = tpu.memref_slice %arg9[%dma_start3A_68, %dma_start3A_69] : memref<256x128xf32, #tpu.memory_space<vmem>> -> memref<128x128xf32, #tpu.memory_space<vmem>>
      %dma_start3A_71 = arith.constant 0 : i32
      %dma_start3A_72 = tpu.memref_slice %arg7[%dma_start3A_67, %dma_start3A_71] : memref<8x128xi32, #tpu.memory_space<vmem>> -> memref<1x128xi32, #tpu.memory_space<vmem>>
      %dma_start3A_73 = tpu.memref_squeeze %dma_start3A_72 : memref<1x128xi32, #tpu.memory_space<vmem>> -> memref<128xi32, #tpu.memory_space<vmem>>
      %dma_start3A_74 = arith.constant 0 : i32
      %dma_start3A_75 = arith.constant 0 : i32
      %dma_start3A_76 = tpu.memref_slice %arg2[%dma_start3A_74, %dma_start3A_75] : memref<10000x128xf32, #tpu.memory_space<hbm>> -> memref<10000x128xf32, #tpu.memory_space<hbm>>
      tpu.enqueue_indirect_dma source(%dma_start3A_76 : memref<10000x128xf32, #tpu.memory_space<hbm>>) target(%dma_start3A_70 : memref<128x128xf32, #tpu.memory_space<vmem>>) offsets(%dma_start3A_73 : memref<128xi32, #tpu.memory_space<vmem>>) semaphore(%arg11 : memref<!tpu.dma_semaphore, #tpu.memory_space<semaphore_mem>>)
      %scan3A = arith.constant 0 : i32
      %scan3A_77 = arith.constant 4 : i32
      %scan3A_78 = arith.addi %scan3A, %scan3A_77 : i32
      %scan3A_79 = arith.constant 1 : i32
      scf.for %scan3A_81 = %scan3A to %scan3A_78 step %scan3A_79  : i32 {
        %mul3A_82 = arith.constant 1 : i32
        %mul3A_83 = arith.muli %scan3A_81, %mul3A_82 : i32
        %add3A_84 = arith.constant 0 : i32
        %add3A_85 = arith.addi %add3A_84, %mul3A_83 : i32
        %mul3A_86 = arith.constant 2 : i32
        %mul3A_87 = arith.muli %add3A_85, %mul3A_86 : i32
        %dma_wait3A = arith.constant 0 : i32
        %dma_wait3A_88 = arith.constant 0 : i32
        %dma_wait3A_89 = tpu.memref_slice %arg9[%dma_wait3A, %dma_wait3A_88] : memref<256x128xf32, #tpu.memory_space<vmem>> -> memref<128x128xf32, #tpu.memory_space<vmem>>
        %dma_wait3A_90 = arith.constant 0 : i32
        %dma_wait3A_91 = tpu.memref_slice %arg7[%mul3A_87, %dma_wait3A_90] : memref<8x128xi32, #tpu.memory_space<vmem>> -> memref<1x128xi32, #tpu.memory_space<vmem>>
        %dma_wait3A_92 = tpu.memref_squeeze %dma_wait3A_91 : memref<1x128xi32, #tpu.memory_space<vmem>> -> memref<128xi32, #tpu.memory_space<vmem>>
        %dma_wait3A_93 = arith.constant 0 : i32
        %dma_wait3A_94 = arith.constant 0 : i32
        %dma_wait3A_95 = tpu.memref_slice %arg2[%dma_wait3A_93, %dma_wait3A_94] : memref<10000x128xf32, #tpu.memory_space<hbm>> -> memref<10000x128xf32, #tpu.memory_space<hbm>>
        tpu.wait_indirect_dma semaphore(%arg11 : memref<!tpu.dma_semaphore, #tpu.memory_space<semaphore_mem>>) src(%dma_wait3A_95 : memref<10000x128xf32, #tpu.memory_space<hbm>>) dst(%dma_wait3A_89 : memref<128x128xf32, #tpu.memory_space<vmem>>)
        "tpu.region"() ({
          %run_scoped3A = tpu.sem_alloc : memref<!tpu.dma_semaphore, #tpu.memory_space<semaphore_mem>>
          %dma_start3A_116 = arith.constant 0 : i32
          %dma_start3A_117 = arith.constant 0 : i32
          %dma_start3A_118 = tpu.memref_slice %arg9[%dma_start3A_116, %dma_start3A_117] : memref<256x128xf32, #tpu.memory_space<vmem>> -> memref<128x128xf32, #tpu.memory_space<vmem>>
          %dma_start3A_119 = arith.constant 0 : i32
          %dma_start3A_120 = tpu.memref_slice %arg8[%mul3A_87, %dma_start3A_119] : memref<8x128xi32, #tpu.memory_space<vmem>> -> memref<1x128xi32, #tpu.memory_space<vmem>>
          %dma_start3A_121 = tpu.memref_squeeze %dma_start3A_120 : memref<1x128xi32, #tpu.memory_space<vmem>> -> memref<128xi32, #tpu.memory_space<vmem>>
          %dma_start3A_122 = arith.constant 0 : i32
          %dma_start3A_123 = arith.constant 0 : i32
          %dma_start3A_124 = tpu.memref_slice %arg10[%dma_start3A_122, %dma_start3A_123] : memref<10112x128xf32, #tpu.memory_space<vmem_shared>> -> memref<10112x128xf32, #tpu.memory_space<vmem_shared>>
          tpu.enqueue_indirect_dma source(%dma_start3A_118 : memref<128x128xf32, #tpu.memory_space<vmem>>) target(%dma_start3A_124 : memref<10112x128xf32, #tpu.memory_space<vmem_shared>>) offsets(%dma_start3A_121 : memref<128xi32, #tpu.memory_space<vmem>>) semaphore(%run_scoped3A : memref<!tpu.dma_semaphore, #tpu.memory_space<semaphore_mem>>) {add = true}
          %dma_wait3A_125 = arith.constant 0 : i32
          %dma_wait3A_126 = arith.constant 0 : i32
          %dma_wait3A_127 = tpu.memref_slice %arg9[%dma_wait3A_125, %dma_wait3A_126] : memref<256x128xf32, #tpu.memory_space<vmem>> -> memref<128x128xf32, #tpu.memory_space<vmem>>
          %dma_wait3A_128 = arith.constant 0 : i32
          %dma_wait3A_129 = tpu.memref_slice %arg8[%mul3A_87, %dma_wait3A_128] : memref<8x128xi32, #tpu.memory_space<vmem>> -> memref<1x128xi32, #tpu.memory_space<vmem>>
          %dma_wait3A_130 = tpu.memref_squeeze %dma_wait3A_129 : memref<1x128xi32, #tpu.memory_space<vmem>> -> memref<128xi32, #tpu.memory_space<vmem>>
          %dma_wait3A_131 = arith.constant 0 : i32
          %dma_wait3A_132 = arith.constant 0 : i32
          %dma_wait3A_133 = tpu.memref_slice %arg10[%dma_wait3A_131, %dma_wait3A_132] : memref<10112x128xf32, #tpu.memory_space<vmem_shared>> -> memref<10112x128xf32, #tpu.memory_space<vmem_shared>>
          tpu.wait_indirect_dma semaphore(%run_scoped3A : memref<!tpu.dma_semaphore, #tpu.memory_space<semaphore_mem>>) src(%dma_wait3A_127 : memref<128x128xf32, #tpu.memory_space<vmem>>) dst(%dma_wait3A_133 : memref<10112x128xf32, #tpu.memory_space<vmem_shared>>)
          tpu.yield
        }) : () -> ()
        %lt3A = arith.constant 3 : i32
        %lt3A_96 = arith.cmpi slt, %add3A_85, %lt3A : i32
        %convert_element_type3A = arith.extui %lt3A_96 : i1 to i32
        %cond3A = arith.constant 0 : i32
        %cond3A_97 = arith.cmpi ne, %convert_element_type3A, %cond3A : i32
        scf.if %cond3A_97 {
          %add3A_116 = arith.constant 2 : i32
          %add3A_117 = arith.addi %mul3A_87, %add3A_116 : i32
          %dma_start3A_118 = arith.constant 0 : i32
          %dma_start3A_119 = arith.constant 0 : i32
          %dma_start3A_120 = tpu.memref_slice %arg9[%dma_start3A_118, %dma_start3A_119] : memref<256x128xf32, #tpu.memory_space<vmem>> -> memref<128x128xf32, #tpu.memory_space<vmem>>
          %dma_start3A_121 = arith.constant 0 : i32
          %dma_start3A_122 = tpu.memref_slice %arg7[%add3A_117, %dma_start3A_121] : memref<8x128xi32, #tpu.memory_space<vmem>> -> memref<1x128xi32, #tpu.memory_space<vmem>>
          %dma_start3A_123 = tpu.memref_squeeze %dma_start3A_122 : memref<1x128xi32, #tpu.memory_space<vmem>> -> memref<128xi32, #tpu.memory_space<vmem>>
          %dma_start3A_124 = arith.constant 0 : i32
          %dma_start3A_125 = arith.constant 0 : i32
          %dma_start3A_126 = tpu.memref_slice %arg2[%dma_start3A_124, %dma_start3A_125] : memref<10000x128xf32, #tpu.memory_space<hbm>> -> memref<10000x128xf32, #tpu.memory_space<hbm>>
          tpu.enqueue_indirect_dma source(%dma_start3A_126 : memref<10000x128xf32, #tpu.memory_space<hbm>>) target(%dma_start3A_120 : memref<128x128xf32, #tpu.memory_space<vmem>>) offsets(%dma_start3A_123 : memref<128xi32, #tpu.memory_space<vmem>>) semaphore(%arg11 : memref<!tpu.dma_semaphore, #tpu.memory_space<semaphore_mem>>)
        } else {
        }
        %add3A_98 = arith.constant 1 : i32
        %add3A_99 = arith.addi %mul3A_87, %add3A_98 : i32
        %dma_wait3A_100 = arith.constant 128 : i32
        %dma_wait3A_101 = arith.constant 0 : i32
        %dma_wait3A_102 = tpu.memref_slice %arg9[%dma_wait3A_100, %dma_wait3A_101] : memref<256x128xf32, #tpu.memory_space<vmem>> -> memref<128x128xf32, #tpu.memory_space<vmem>>
        %dma_wait3A_103 = arith.constant 0 : i32
        %dma_wait3A_104 = tpu.memref_slice %arg7[%add3A_99, %dma_wait3A_103] : memref<8x128xi32, #tpu.memory_space<vmem>> -> memref<1x128xi32, #tpu.memory_space<vmem>>
        %dma_wait3A_105 = tpu.memref_squeeze %dma_wait3A_104 : memref<1x128xi32, #tpu.memory_space<vmem>> -> memref<128xi32, #tpu.memory_space<vmem>>
        %dma_wait3A_106 = arith.constant 0 : i32
        %dma_wait3A_107 = arith.constant 0 : i32
        %dma_wait3A_108 = tpu.memref_slice %arg2[%dma_wait3A_106, %dma_wait3A_107] : memref<10000x128xf32, #tpu.memory_space<hbm>> -> memref<10000x128xf32, #tpu.memory_space<hbm>>
        tpu.wait_indirect_dma semaphore(%arg11 : memref<!tpu.dma_semaphore, #tpu.memory_space<semaphore_mem>>) src(%dma_wait3A_108 : memref<10000x128xf32, #tpu.memory_space<hbm>>) dst(%dma_wait3A_102 : memref<128x128xf32, #tpu.memory_space<vmem>>)
        %add3A_109 = arith.constant 1 : i32
        %add3A_110 = arith.addi %mul3A_87, %add3A_109 : i32
        "tpu.region"() ({
          %run_scoped3A = tpu.sem_alloc : memref<!tpu.dma_semaphore, #tpu.memory_space<semaphore_mem>>
          %dma_start3A_116 = arith.constant 128 : i32
          %dma_start3A_117 = arith.constant 0 : i32
          %dma_start3A_118 = tpu.memref_slice %arg9[%dma_start3A_116, %dma_start3A_117] : memref<256x128xf32, #tpu.memory_space<vmem>> -> memref<128x128xf32, #tpu.memory_space<vmem>>
          %dma_start3A_119 = arith.constant 0 : i32
          %dma_start3A_120 = tpu.memref_slice %arg8[%add3A_110, %dma_start3A_119] : memref<8x128xi32, #tpu.memory_space<vmem>> -> memref<1x128xi32, #tpu.memory_space<vmem>>
          %dma_start3A_121 = tpu.memref_squeeze %dma_start3A_120 : memref<1x128xi32, #tpu.memory_space<vmem>> -> memref<128xi32, #tpu.memory_space<vmem>>
          %dma_start3A_122 = arith.constant 0 : i32
          %dma_start3A_123 = arith.constant 0 : i32
          %dma_start3A_124 = tpu.memref_slice %arg10[%dma_start3A_122, %dma_start3A_123] : memref<10112x128xf32, #tpu.memory_space<vmem_shared>> -> memref<10112x128xf32, #tpu.memory_space<vmem_shared>>
          tpu.enqueue_indirect_dma source(%dma_start3A_118 : memref<128x128xf32, #tpu.memory_space<vmem>>) target(%dma_start3A_124 : memref<10112x128xf32, #tpu.memory_space<vmem_shared>>) offsets(%dma_start3A_121 : memref<128xi32, #tpu.memory_space<vmem>>) semaphore(%run_scoped3A : memref<!tpu.dma_semaphore, #tpu.memory_space<semaphore_mem>>) {add = true}
          %dma_wait3A_125 = arith.constant 128 : i32
          %dma_wait3A_126 = arith.constant 0 : i32
          %dma_wait3A_127 = tpu.memref_slice %arg9[%dma_wait3A_125, %dma_wait3A_126] : memref<256x128xf32, #tpu.memory_space<vmem>> -> memref<128x128xf32, #tpu.memory_space<vmem>>
          %dma_wait3A_128 = arith.constant 0 : i32
          %dma_wait3A_129 = tpu.memref_slice %arg8[%add3A_110, %dma_wait3A_128] : memref<8x128xi32, #tpu.memory_space<vmem>> -> memref<1x128xi32, #tpu.memory_space<vmem>>
          %dma_wait3A_130 = tpu.memref_squeeze %dma_wait3A_129 : memref<1x128xi32, #tpu.memory_space<vmem>> -> memref<128xi32, #tpu.memory_space<vmem>>
          %dma_wait3A_131 = arith.constant 0 : i32
          %dma_wait3A_132 = arith.constant 0 : i32
          %dma_wait3A_133 = tpu.memref_slice %arg10[%dma_wait3A_131, %dma_wait3A_132] : memref<10112x128xf32, #tpu.memory_space<vmem_shared>> -> memref<10112x128xf32, #tpu.memory_space<vmem_shared>>
          tpu.wait_indirect_dma semaphore(%run_scoped3A : memref<!tpu.dma_semaphore, #tpu.memory_space<semaphore_mem>>) src(%dma_wait3A_127 : memref<128x128xf32, #tpu.memory_space<vmem>>) dst(%dma_wait3A_133 : memref<10112x128xf32, #tpu.memory_space<vmem_shared>>)
          tpu.yield
        }) : () -> ()
        %lt3A_111 = arith.constant 3 : i32
        %lt3A_112 = arith.cmpi slt, %add3A_85, %lt3A_111 : i32
        %convert_element_type3A_113 = arith.extui %lt3A_112 : i1 to i32
        %cond3A_114 = arith.constant 0 : i32
        %cond3A_115 = arith.cmpi ne, %convert_element_type3A_113, %cond3A_114 : i32
        scf.if %cond3A_115 {
          %add3A_116 = arith.constant 3 : i32
          %add3A_117 = arith.addi %mul3A_87, %add3A_116 : i32
          %dma_start3A_118 = arith.constant 128 : i32
          %dma_start3A_119 = arith.constant 0 : i32
          %dma_start3A_120 = tpu.memref_slice %arg9[%dma_start3A_118, %dma_start3A_119] : memref<256x128xf32, #tpu.memory_space<vmem>> -> memref<128x128xf32, #tpu.memory_space<vmem>>
          %dma_start3A_121 = arith.constant 0 : i32
          %dma_start3A_122 = tpu.memref_slice %arg7[%add3A_117, %dma_start3A_121] : memref<8x128xi32, #tpu.memory_space<vmem>> -> memref<1x128xi32, #tpu.memory_space<vmem>>
          %dma_start3A_123 = tpu.memref_squeeze %dma_start3A_122 : memref<1x128xi32, #tpu.memory_space<vmem>> -> memref<128xi32, #tpu.memory_space<vmem>>
          %dma_start3A_124 = arith.constant 0 : i32
          %dma_start3A_125 = arith.constant 0 : i32
          %dma_start3A_126 = tpu.memref_slice %arg2[%dma_start3A_124, %dma_start3A_125] : memref<10000x128xf32, #tpu.memory_space<hbm>> -> memref<10000x128xf32, #tpu.memory_space<hbm>>
          tpu.enqueue_indirect_dma source(%dma_start3A_126 : memref<10000x128xf32, #tpu.memory_space<hbm>>) target(%dma_start3A_120 : memref<128x128xf32, #tpu.memory_space<vmem>>) offsets(%dma_start3A_123 : memref<128xi32, #tpu.memory_space<vmem>>) semaphore(%arg11 : memref<!tpu.dma_semaphore, #tpu.memory_space<semaphore_mem>>)
        } else {
        }
      }
      %scan3A_80 = arith.constant 4 : i32
    }
    %while3A_46 = arith.constant 1 : i32
    scf.for %while3A_52 = %while3A_44 to %while3A_40 step %while3A_46  : i32 {
      %mul3A_53 = arith.muli %while3A_52, %while3A : i32
      %add3A_54 = arith.addi %while3A_37, %mul3A_53 : i32
      %mul3A_55 = arith.constant 8 : i32
      %mul3A_56 = arith.muli %add3A_54, %mul3A_55 : i32
      %add3A_57 = arith.addi %select_n3A_8, %mul3A_56 : i32
      "tpu.region"() ({
        %run_scoped3A = tpu.sem_alloc : memref<!tpu.dma_semaphore, #tpu.memory_space<semaphore_mem>>
        %dma_start3A_81 = arith.constant 0 : i32
        %dma_start3A_82 = tpu.memref_slice %arg3[%add3A_57, %dma_start3A_81] : memref<2560x128xi32, #tpu.memory_space<hbm>> -> memref<8x128xi32, #tpu.memory_space<hbm>>
        %dma_start3A_83 = arith.constant 0 : i32
        %dma_start3A_84 = tpu.memref_slice %arg3[%add3A_57, %dma_start3A_83] : memref<2560x128xi32, #tpu.memory_space<hbm>> -> memref<8x128xi32, #tpu.memory_space<hbm>>
        tpu.enqueue_dma source(%dma_start3A_84 : memref<8x128xi32, #tpu.memory_space<hbm>>) target(%arg7 : memref<8x128xi32, #tpu.memory_space<vmem>>) target_semaphore(%run_scoped3A : memref<!tpu.dma_semaphore, #tpu.memory_space<semaphore_mem>>)
        %dma_wait3A = arith.constant 0 : i32
        %dma_wait3A_85 = tpu.memref_slice %arg3[%add3A_57, %dma_wait3A] : memref<2560x128xi32, #tpu.memory_space<hbm>> -> memref<8x128xi32, #tpu.memory_space<hbm>>
        %dma_wait3A_86 = arith.constant 0 : i32
        %dma_wait3A_87 = tpu.memref_slice %arg3[%add3A_57, %dma_wait3A_86] : memref<2560x128xi32, #tpu.memory_space<hbm>> -> memref<8x128xi32, #tpu.memory_space<hbm>>
        tpu.wait_dma2 semaphore(%run_scoped3A : memref<!tpu.dma_semaphore, #tpu.memory_space<semaphore_mem>>) src(%dma_wait3A_87 : memref<8x128xi32, #tpu.memory_space<hbm>>) dst(%arg7 : memref<8x128xi32, #tpu.memory_space<vmem>>)
        tpu.yield
      }) : () -> ()
      "tpu.region"() ({
        %run_scoped3A = tpu.sem_alloc : memref<!tpu.dma_semaphore, #tpu.memory_space<semaphore_mem>>
        %dma_start3A_81 = arith.constant 0 : i32
        %dma_start3A_82 = tpu.memref_slice %arg4[%add3A_57, %dma_start3A_81] : memref<2560x128xi32, #tpu.memory_space<hbm>> -> memref<8x128xi32, #tpu.memory_space<hbm>>
        %dma_start3A_83 = arith.constant 0 : i32
        %dma_start3A_84 = tpu.memref_slice %arg4[%add3A_57, %dma_start3A_83] : memref<2560x128xi32, #tpu.memory_space<hbm>> -> memref<8x128xi32, #tpu.memory_space<hbm>>
        tpu.enqueue_dma source(%dma_start3A_84 : memref<8x128xi32, #tpu.memory_space<hbm>>) target(%arg8 : memref<8x128xi32, #tpu.memory_space<vmem>>) target_semaphore(%run_scoped3A : memref<!tpu.dma_semaphore, #tpu.memory_space<semaphore_mem>>)
        %dma_wait3A = arith.constant 0 : i32
        %dma_wait3A_85 = tpu.memref_slice %arg4[%add3A_57, %dma_wait3A] : memref<2560x128xi32, #tpu.memory_space<hbm>> -> memref<8x128xi32, #tpu.memory_space<hbm>>
        %dma_wait3A_86 = arith.constant 0 : i32
        %dma_wait3A_87 = tpu.memref_slice %arg4[%add3A_57, %dma_wait3A_86] : memref<2560x128xi32, #tpu.memory_space<hbm>> -> memref<8x128xi32, #tpu.memory_space<hbm>>
        tpu.wait_dma2 semaphore(%run_scoped3A : memref<!tpu.dma_semaphore, #tpu.memory_space<semaphore_mem>>) src(%dma_wait3A_87 : memref<8x128xi32, #tpu.memory_space<hbm>>) dst(%arg8 : memref<8x128xi32, #tpu.memory_space<vmem>>)
        tpu.yield
      }) : () -> ()
      %dma_start3A = arith.constant 0 : i32
      %dma_start3A_58 = arith.constant 0 : i32
      %dma_start3A_59 = arith.constant 0 : i32
      %dma_start3A_60 = tpu.memref_slice %arg9[%dma_start3A_58, %dma_start3A_59] : memref<256x128xf32, #tpu.memory_space<vmem>> -> memref<128x128xf32, #tpu.memory_space<vmem>>
      %dma_start3A_61 = arith.constant 0 : i32
      %dma_start3A_62 = tpu.memref_slice %arg7[%dma_start3A, %dma_start3A_61] : memref<8x128xi32, #tpu.memory_space<vmem>> -> memref<1x128xi32, #tpu.memory_space<vmem>>
      %dma_start3A_63 = tpu.memref_squeeze %dma_start3A_62 : memref<1x128xi32, #tpu.memory_space<vmem>> -> memref<128xi32, #tpu.memory_space<vmem>>
      %dma_start3A_64 = arith.constant 0 : i32
      %dma_start3A_65 = arith.constant 0 : i32
      %dma_start3A_66 = tpu.memref_slice %arg2[%dma_start3A_64, %dma_start3A_65] : memref<10000x128xf32, #tpu.memory_space<hbm>> -> memref<10000x128xf32, #tpu.memory_space<hbm>>
      tpu.enqueue_indirect_dma source(%dma_start3A_66 : memref<10000x128xf32, #tpu.memory_space<hbm>>) target(%dma_start3A_60 : memref<128x128xf32, #tpu.memory_space<vmem>>) offsets(%dma_start3A_63 : memref<128xi32, #tpu.memory_space<vmem>>) semaphore(%arg11 : memref<!tpu.dma_semaphore, #tpu.memory_space<semaphore_mem>>)
      %dma_start3A_67 = arith.constant 1 : i32
      %dma_start3A_68 = arith.constant 128 : i32
      %dma_start3A_69 = arith.constant 0 : i32
      %dma_start3A_70 = tpu.memref_slice %arg9[%dma_start3A_68, %dma_start3A_69] : memref<256x128xf32, #tpu.memory_space<vmem>> -> memref<128x128xf32, #tpu.memory_space<vmem>>
      %dma_start3A_71 = arith.constant 0 : i32
      %dma_start3A_72 = tpu.memref_slice %arg7[%dma_start3A_67, %dma_start3A_71] : memref<8x128xi32, #tpu.memory_space<vmem>> -> memref<1x128xi32, #tpu.memory_space<vmem>>
      %dma_start3A_73 = tpu.memref_squeeze %dma_start3A_72 : memref<1x128xi32, #tpu.memory_space<vmem>> -> memref<128xi32, #tpu.memory_space<vmem>>
      %dma_start3A_74 = arith.constant 0 : i32
      %dma_start3A_75 = arith.constant 0 : i32
      %dma_start3A_76 = tpu.memref_slice %arg2[%dma_start3A_74, %dma_start3A_75] : memref<10000x128xf32, #tpu.memory_space<hbm>> -> memref<10000x128xf32, #tpu.memory_space<hbm>>
      tpu.enqueue_indirect_dma source(%dma_start3A_76 : memref<10000x128xf32, #tpu.memory_space<hbm>>) target(%dma_start3A_70 : memref<128x128xf32, #tpu.memory_space<vmem>>) offsets(%dma_start3A_73 : memref<128xi32, #tpu.memory_space<vmem>>) semaphore(%arg11 : memref<!tpu.dma_semaphore, #tpu.memory_space<semaphore_mem>>)
      %scan3A = arith.constant 0 : i32
      %scan3A_77 = arith.constant 4 : i32
      %scan3A_78 = arith.addi %scan3A, %scan3A_77 : i32
      %scan3A_79 = arith.constant 1 : i32
      scf.for %scan3A_81 = %scan3A to %scan3A_78 step %scan3A_79  : i32 {
        %mul3A_82 = arith.constant 1 : i32
        %mul3A_83 = arith.muli %scan3A_81, %mul3A_82 : i32
        %add3A_84 = arith.constant 0 : i32
        %add3A_85 = arith.addi %add3A_84, %mul3A_83 : i32
        %mul3A_86 = arith.constant 2 : i32
        %mul3A_87 = arith.muli %add3A_85, %mul3A_86 : i32
        %dma_wait3A = arith.constant 0 : i32
        %dma_wait3A_88 = arith.constant 0 : i32
        %dma_wait3A_89 = tpu.memref_slice %arg9[%dma_wait3A, %dma_wait3A_88] : memref<256x128xf32, #tpu.memory_space<vmem>> -> memref<128x128xf32, #tpu.memory_space<vmem>>
        %dma_wait3A_90 = arith.constant 0 : i32
        %dma_wait3A_91 = tpu.memref_slice %arg7[%mul3A_87, %dma_wait3A_90] : memref<8x128xi32, #tpu.memory_space<vmem>> -> memref<1x128xi32, #tpu.memory_space<vmem>>
        %dma_wait3A_92 = tpu.memref_squeeze %dma_wait3A_91 : memref<1x128xi32, #tpu.memory_space<vmem>> -> memref<128xi32, #tpu.memory_space<vmem>>
        %dma_wait3A_93 = arith.constant 0 : i32
        %dma_wait3A_94 = arith.constant 0 : i32
        %dma_wait3A_95 = tpu.memref_slice %arg2[%dma_wait3A_93, %dma_wait3A_94] : memref<10000x128xf32, #tpu.memory_space<hbm>> -> memref<10000x128xf32, #tpu.memory_space<hbm>>
        tpu.wait_indirect_dma semaphore(%arg11 : memref<!tpu.dma_semaphore, #tpu.memory_space<semaphore_mem>>) src(%dma_wait3A_95 : memref<10000x128xf32, #tpu.memory_space<hbm>>) dst(%dma_wait3A_89 : memref<128x128xf32, #tpu.memory_space<vmem>>)
        "tpu.region"() ({
          %run_scoped3A = tpu.sem_alloc : memref<!tpu.dma_semaphore, #tpu.memory_space<semaphore_mem>>
          %dma_start3A_116 = arith.constant 0 : i32
          %dma_start3A_117 = arith.constant 0 : i32
          %dma_start3A_118 = tpu.memref_slice %arg9[%dma_start3A_116, %dma_start3A_117] : memref<256x128xf32, #tpu.memory_space<vmem>> -> memref<128x128xf32, #tpu.memory_space<vmem>>
          %dma_start3A_119 = arith.constant 0 : i32
          %dma_start3A_120 = tpu.memref_slice %arg8[%mul3A_87, %dma_start3A_119] : memref<8x128xi32, #tpu.memory_space<vmem>> -> memref<1x128xi32, #tpu.memory_space<vmem>>
          %dma_start3A_121 = tpu.memref_squeeze %dma_start3A_120 : memref<1x128xi32, #tpu.memory_space<vmem>> -> memref<128xi32, #tpu.memory_space<vmem>>
          %dma_start3A_122 = arith.constant 0 : i32
          %dma_start3A_123 = arith.constant 0 : i32
          %dma_start3A_124 = tpu.memref_slice %arg10[%dma_start3A_122, %dma_start3A_123] : memref<10112x128xf32, #tpu.memory_space<vmem_shared>> -> memref<10112x128xf32, #tpu.memory_space<vmem_shared>>
          tpu.enqueue_indirect_dma source(%dma_start3A_118 : memref<128x128xf32, #tpu.memory_space<vmem>>) target(%dma_start3A_124 : memref<10112x128xf32, #tpu.memory_space<vmem_shared>>) offsets(%dma_start3A_121 : memref<128xi32, #tpu.memory_space<vmem>>) semaphore(%run_scoped3A : memref<!tpu.dma_semaphore, #tpu.memory_space<semaphore_mem>>) {add = true}
          %dma_wait3A_125 = arith.constant 0 : i32
          %dma_wait3A_126 = arith.constant 0 : i32
          %dma_wait3A_127 = tpu.memref_slice %arg9[%dma_wait3A_125, %dma_wait3A_126] : memref<256x128xf32, #tpu.memory_space<vmem>> -> memref<128x128xf32, #tpu.memory_space<vmem>>
          %dma_wait3A_128 = arith.constant 0 : i32
          %dma_wait3A_129 = tpu.memref_slice %arg8[%mul3A_87, %dma_wait3A_128] : memref<8x128xi32, #tpu.memory_space<vmem>> -> memref<1x128xi32, #tpu.memory_space<vmem>>
          %dma_wait3A_130 = tpu.memref_squeeze %dma_wait3A_129 : memref<1x128xi32, #tpu.memory_space<vmem>> -> memref<128xi32, #tpu.memory_space<vmem>>
          %dma_wait3A_131 = arith.constant 0 : i32
          %dma_wait3A_132 = arith.constant 0 : i32
          %dma_wait3A_133 = tpu.memref_slice %arg10[%dma_wait3A_131, %dma_wait3A_132] : memref<10112x128xf32, #tpu.memory_space<vmem_shared>> -> memref<10112x128xf32, #tpu.memory_space<vmem_shared>>
          tpu.wait_indirect_dma semaphore(%run_scoped3A : memref<!tpu.dma_semaphore, #tpu.memory_space<semaphore_mem>>) src(%dma_wait3A_127 : memref<128x128xf32, #tpu.memory_space<vmem>>) dst(%dma_wait3A_133 : memref<10112x128xf32, #tpu.memory_space<vmem_shared>>)
          tpu.yield
        }) : () -> ()
        %lt3A = arith.constant 3 : i32
        %lt3A_96 = arith.cmpi slt, %add3A_85, %lt3A : i32
        %convert_element_type3A = arith.extui %lt3A_96 : i1 to i32
        %cond3A = arith.constant 0 : i32
        %cond3A_97 = arith.cmpi ne, %convert_element_type3A, %cond3A : i32
        scf.if %cond3A_97 {
          %add3A_116 = arith.constant 2 : i32
          %add3A_117 = arith.addi %mul3A_87, %add3A_116 : i32
          %dma_start3A_118 = arith.constant 0 : i32
          %dma_start3A_119 = arith.constant 0 : i32
          %dma_start3A_120 = tpu.memref_slice %arg9[%dma_start3A_118, %dma_start3A_119] : memref<256x128xf32, #tpu.memory_space<vmem>> -> memref<128x128xf32, #tpu.memory_space<vmem>>
          %dma_start3A_121 = arith.constant 0 : i32
          %dma_start3A_122 = tpu.memref_slice %arg7[%add3A_117, %dma_start3A_121] : memref<8x128xi32, #tpu.memory_space<vmem>> -> memref<1x128xi32, #tpu.memory_space<vmem>>
          %dma_start3A_123 = tpu.memref_squeeze %dma_start3A_122 : memref<1x128xi32, #tpu.memory_space<vmem>> -> memref<128xi32, #tpu.memory_space<vmem>>
          %dma_start3A_124 = arith.constant 0 : i32
          %dma_start3A_125 = arith.constant 0 : i32
          %dma_start3A_126 = tpu.memref_slice %arg2[%dma_start3A_124, %dma_start3A_125] : memref<10000x128xf32, #tpu.memory_space<hbm>> -> memref<10000x128xf32, #tpu.memory_space<hbm>>
          tpu.enqueue_indirect_dma source(%dma_start3A_126 : memref<10000x128xf32, #tpu.memory_space<hbm>>) target(%dma_start3A_120 : memref<128x128xf32, #tpu.memory_space<vmem>>) offsets(%dma_start3A_123 : memref<128xi32, #tpu.memory_space<vmem>>) semaphore(%arg11 : memref<!tpu.dma_semaphore, #tpu.memory_space<semaphore_mem>>)
        } else {
        }
        %add3A_98 = arith.constant 1 : i32
        %add3A_99 = arith.addi %mul3A_87, %add3A_98 : i32
        %dma_wait3A_100 = arith.constant 128 : i32
        %dma_wait3A_101 = arith.constant 0 : i32
        %dma_wait3A_102 = tpu.memref_slice %arg9[%dma_wait3A_100, %dma_wait3A_101] : memref<256x128xf32, #tpu.memory_space<vmem>> -> memref<128x128xf32, #tpu.memory_space<vmem>>
        %dma_wait3A_103 = arith.constant 0 : i32
        %dma_wait3A_104 = tpu.memref_slice %arg7[%add3A_99, %dma_wait3A_103] : memref<8x128xi32, #tpu.memory_space<vmem>> -> memref<1x128xi32, #tpu.memory_space<vmem>>
        %dma_wait3A_105 = tpu.memref_squeeze %dma_wait3A_104 : memref<1x128xi32, #tpu.memory_space<vmem>> -> memref<128xi32, #tpu.memory_space<vmem>>
        %dma_wait3A_106 = arith.constant 0 : i32
        %dma_wait3A_107 = arith.constant 0 : i32
        %dma_wait3A_108 = tpu.memref_slice %arg2[%dma_wait3A_106, %dma_wait3A_107] : memref<10000x128xf32, #tpu.memory_space<hbm>> -> memref<10000x128xf32, #tpu.memory_space<hbm>>
        tpu.wait_indirect_dma semaphore(%arg11 : memref<!tpu.dma_semaphore, #tpu.memory_space<semaphore_mem>>) src(%dma_wait3A_108 : memref<10000x128xf32, #tpu.memory_space<hbm>>) dst(%dma_wait3A_102 : memref<128x128xf32, #tpu.memory_space<vmem>>)
        %add3A_109 = arith.constant 1 : i32
        %add3A_110 = arith.addi %mul3A_87, %add3A_109 : i32
        "tpu.region"() ({
          %run_scoped3A = tpu.sem_alloc : memref<!tpu.dma_semaphore, #tpu.memory_space<semaphore_mem>>
          %dma_start3A_116 = arith.constant 128 : i32
          %dma_start3A_117 = arith.constant 0 : i32
          %dma_start3A_118 = tpu.memref_slice %arg9[%dma_start3A_116, %dma_start3A_117] : memref<256x128xf32, #tpu.memory_space<vmem>> -> memref<128x128xf32, #tpu.memory_space<vmem>>
          %dma_start3A_119 = arith.constant 0 : i32
          %dma_start3A_120 = tpu.memref_slice %arg8[%add3A_110, %dma_start3A_119] : memref<8x128xi32, #tpu.memory_space<vmem>> -> memref<1x128xi32, #tpu.memory_space<vmem>>
          %dma_start3A_121 = tpu.memref_squeeze %dma_start3A_120 : memref<1x128xi32, #tpu.memory_space<vmem>> -> memref<128xi32, #tpu.memory_space<vmem>>
          %dma_start3A_122 = arith.constant 0 : i32
          %dma_start3A_123 = arith.constant 0 : i32
          %dma_start3A_124 = tpu.memref_slice %arg10[%dma_start3A_122, %dma_start3A_123] : memref<10112x128xf32, #tpu.memory_space<vmem_shared>> -> memref<10112x128xf32, #tpu.memory_space<vmem_shared>>
          tpu.enqueue_indirect_dma source(%dma_start3A_118 : memref<128x128xf32, #tpu.memory_space<vmem>>) target(%dma_start3A_124 : memref<10112x128xf32, #tpu.memory_space<vmem_shared>>) offsets(%dma_start3A_121 : memref<128xi32, #tpu.memory_space<vmem>>) semaphore(%run_scoped3A : memref<!tpu.dma_semaphore, #tpu.memory_space<semaphore_mem>>) {add = true}
          %dma_wait3A_125 = arith.constant 128 : i32
          %dma_wait3A_126 = arith.constant 0 : i32
          %dma_wait3A_127 = tpu.memref_slice %arg9[%dma_wait3A_125, %dma_wait3A_126] : memref<256x128xf32, #tpu.memory_space<vmem>> -> memref<128x128xf32, #tpu.memory_space<vmem>>
          %dma_wait3A_128 = arith.constant 0 : i32
          %dma_wait3A_129 = tpu.memref_slice %arg8[%add3A_110, %dma_wait3A_128] : memref<8x128xi32, #tpu.memory_space<vmem>> -> memref<1x128xi32, #tpu.memory_space<vmem>>
          %dma_wait3A_130 = tpu.memref_squeeze %dma_wait3A_129 : memref<1x128xi32, #tpu.memory_space<vmem>> -> memref<128xi32, #tpu.memory_space<vmem>>
          %dma_wait3A_131 = arith.constant 0 : i32
          %dma_wait3A_132 = arith.constant 0 : i32
          %dma_wait3A_133 = tpu.memref_slice %arg10[%dma_wait3A_131, %dma_wait3A_132] : memref<10112x128xf32, #tpu.memory_space<vmem_shared>> -> memref<10112x128xf32, #tpu.memory_space<vmem_shared>>
          tpu.wait_indirect_dma semaphore(%run_scoped3A : memref<!tpu.dma_semaphore, #tpu.memory_space<semaphore_mem>>) src(%dma_wait3A_127 : memref<128x128xf32, #tpu.memory_space<vmem>>) dst(%dma_wait3A_133 : memref<10112x128xf32, #tpu.memory_space<vmem_shared>>)
          tpu.yield
        }) : () -> ()
        %lt3A_111 = arith.constant 3 : i32
        %lt3A_112 = arith.cmpi slt, %add3A_85, %lt3A_111 : i32
        %convert_element_type3A_113 = arith.extui %lt3A_112 : i1 to i32
        %cond3A_114 = arith.constant 0 : i32
        %cond3A_115 = arith.cmpi ne, %convert_element_type3A_113, %cond3A_114 : i32
        scf.if %cond3A_115 {
          %add3A_116 = arith.constant 3 : i32
          %add3A_117 = arith.addi %mul3A_87, %add3A_116 : i32
          %dma_start3A_118 = arith.constant 128 : i32
          %dma_start3A_119 = arith.constant 0 : i32
          %dma_start3A_120 = tpu.memref_slice %arg9[%dma_start3A_118, %dma_start3A_119] : memref<256x128xf32, #tpu.memory_space<vmem>> -> memref<128x128xf32, #tpu.memory_space<vmem>>
          %dma_start3A_121 = arith.constant 0 : i32
          %dma_start3A_122 = tpu.memref_slice %arg7[%add3A_117, %dma_start3A_121] : memref<8x128xi32, #tpu.memory_space<vmem>> -> memref<1x128xi32, #tpu.memory_space<vmem>>
          %dma_start3A_123 = tpu.memref_squeeze %dma_start3A_122 : memref<1x128xi32, #tpu.memory_space<vmem>> -> memref<128xi32, #tpu.memory_space<vmem>>
          %dma_start3A_124 = arith.constant 0 : i32
          %dma_start3A_125 = arith.constant 0 : i32
          %dma_start3A_126 = tpu.memref_slice %arg2[%dma_start3A_124, %dma_start3A_125] : memref<10000x128xf32, #tpu.memory_space<hbm>> -> memref<10000x128xf32, #tpu.memory_space<hbm>>
          tpu.enqueue_indirect_dma source(%dma_start3A_126 : memref<10000x128xf32, #tpu.memory_space<hbm>>) target(%dma_start3A_120 : memref<128x128xf32, #tpu.memory_space<vmem>>) offsets(%dma_start3A_123 : memref<128xi32, #tpu.memory_space<vmem>>) semaphore(%arg11 : memref<!tpu.dma_semaphore, #tpu.memory_space<semaphore_mem>>)
        } else {
        }
      }
      %scan3A_80 = arith.constant 4 : i32
    }
    %barrier3A_47 = arith.constant 0 : index
    tpu.barrier barrier_id(%barrier3A_47)
    %mul3A_48 = arith.constant 632 : i32
    %mul3A_49 = arith.muli %arg1, %mul3A_48 : i32
    %mul3A_50 = arith.constant 632 : i32
    %mul3A_51 = arith.muli %arg1, %mul3A_50 : i32
    "tpu.region"() ({
      %run_scoped3A = tpu.sem_alloc : memref<!tpu.dma_semaphore, #tpu.memory_space<semaphore_mem>>
      %dma_start3A = arith.constant 0 : i32
      %dma_start3A_52 = arith.constant 0 : i32
      %dma_start3A_53 = tpu.memref_slice %arg6[%arg0, %dma_start3A, %dma_start3A_52] : memref<2x10112x128xf32, #tpu.memory_space<hbm>> -> memref<1x10112x128xf32, #tpu.memory_space<hbm>>
      %dma_start3A_54 = tpu.memref_squeeze %dma_start3A_53 : memref<1x10112x128xf32, #tpu.memory_space<hbm>> -> memref<10112x128xf32, #tpu.memory_space<hbm>>
      %dma_start3A_55 = arith.constant 0 : i32
      %dma_start3A_56 = tpu.memref_slice %dma_start3A_54[%mul3A_51, %dma_start3A_55] : memref<10112x128xf32, #tpu.memory_space<hbm>> -> memref<632x128xf32, #tpu.memory_space<hbm>>
      %dma_start3A_57 = arith.constant 0 : i32
      %dma_start3A_58 = tpu.memref_slice %arg10[%mul3A_49, %dma_start3A_57] : memref<10112x128xf32, #tpu.memory_space<vmem_shared>> -> memref<632x128xf32, #tpu.memory_space<vmem_shared>>
      tpu.enqueue_dma source(%dma_start3A_58 : memref<632x128xf32, #tpu.memory_space<vmem_shared>>) target(%dma_start3A_56 : memref<632x128xf32, #tpu.memory_space<hbm>>) target_semaphore(%run_scoped3A : memref<!tpu.dma_semaphore, #tpu.memory_space<semaphore_mem>>)
      %dma_wait3A = arith.constant 0 : i32
      %dma_wait3A_59 = arith.constant 0 : i32
      %dma_wait3A_60 = tpu.memref_slice %arg6[%arg0, %dma_wait3A, %dma_wait3A_59] : memref<2x10112x128xf32, #tpu.memory_space<hbm>> -> memref<1x10112x128xf32, #tpu.memory_space<hbm>>
      %dma_wait3A_61 = tpu.memref_squeeze %dma_wait3A_60 : memref<1x10112x128xf32, #tpu.memory_space<hbm>> -> memref<10112x128xf32, #tpu.memory_space<hbm>>
      %dma_wait3A_62 = arith.constant 0 : i32
      %dma_wait3A_63 = tpu.memref_slice %dma_wait3A_61[%mul3A_51, %dma_wait3A_62] : memref<10112x128xf32, #tpu.memory_space<hbm>> -> memref<632x128xf32, #tpu.memory_space<hbm>>
      %dma_wait3A_64 = arith.constant 0 : i32
      %dma_wait3A_65 = tpu.memref_slice %arg10[%mul3A_49, %dma_wait3A_64] : memref<10112x128xf32, #tpu.memory_space<vmem_shared>> -> memref<632x128xf32, #tpu.memory_space<vmem_shared>>
      tpu.wait_dma2 semaphore(%run_scoped3A : memref<!tpu.dma_semaphore, #tpu.memory_space<semaphore_mem>>) src(%dma_wait3A_65 : memref<632x128xf32, #tpu.memory_space<vmem_shared>>) dst(%dma_wait3A_63 : memref<632x128xf32, #tpu.memory_space<hbm>>)
      tpu.yield
    }) : () -> ()
    return
  }
}

#map = affine_map<(d0, d1) -> (0, 0)>
#map1 = affine_map<(d0, d1) -> (0, 0, 0)>
module attributes {stable_mosaic.version = 14 : i64} {
  func.func @_sc_sum_body(%arg0: i32, %arg1: i32, %arg2: memref<10000x128xf32, #tpu.memory_space<hbm>>, %arg3: memref<2560x128xi32, #tpu.memory_space<hbm>>, %arg4: memref<2560x128xi32, #tpu.memory_space<hbm>>, %arg5: memref<632x128xf32, #tpu.memory_space<hbm>>, %arg6: memref<2x10112x128xf32, #tpu.memory_space<hbm>>, %arg7: memref<8x128xi32, #tpu.memory_space<vmem>>, %arg8: memref<8x128xi32, #tpu.memory_space<vmem>>, %arg9: memref<256x128xf32, #tpu.memory_space<vmem>>, %arg10: memref<10112x128xf32, #tpu.memory_space<vmem_shared>>, %arg11: memref<!tpu.dma_semaphore, #tpu.memory_space<semaphore_mem>>) attributes {dimension_semantics = [#tpu.dimension_semantics<core_parallel>, #tpu.dimension_semantics<subcore_parallel>], iteration_bounds = array<i64: 2, 16>, scalar_prefetch = 0 : i64, scratch_operands = 5 : i64, tpu.core_type = #tpu.core_type<sc_vector_subcore>, window_params = [{transform_indices = #map}, {transform_indices = #map}, {transform_indices = #map}, {transform_indices = #map}, {transform_indices = #map1}]} {
    %eq3A = arith.constant 0 : i32
    %eq3A_0 = arith.cmpi eq, %arg0, %eq3A : i32
    %jit3A = arith.constant 152 : i32
    %jit3A_1 = arith.constant 8 : i32
    %select_n3A = arith.select %eq3A_0, %jit3A, %jit3A_1 : i32
    %eq3A_2 = arith.constant 0 : i32
    %eq3A_3 = arith.cmpi eq, %arg0, %eq3A_2 : i32
    %mul3A = arith.constant 152 : i32
    %mul3A_4 = arith.muli %arg1, %mul3A : i32
    %mul3A_5 = arith.constant 8 : i32
    %mul3A_6 = arith.muli %arg1, %mul3A_5 : i32
    %add3A = arith.constant 2432 : i32
    %add3A_7 = arith.addi %add3A, %mul3A_6 : i32
    %select_n3A_8 = arith.select %eq3A_3, %mul3A_4, %add3A_7 : i32
    %mul3A_9 = arith.constant 632 : i32
    %mul3A_10 = arith.muli %arg1, %mul3A_9 : i32
    "tpu.region"() ({
      %run_scoped3A = tpu.sem_alloc : memref<!tpu.dma_semaphore, #tpu.memory_space<semaphore_mem>>
      %dma_start3A = arith.constant 0 : i32
      %dma_start3A_52 = tpu.memref_slice %arg10[%mul3A_10, %dma_start3A] : memref<10112x128xf32, #tpu.memory_space<vmem_shared>> -> memref<632x128xf32, #tpu.memory_space<vmem_shared>>
      tpu.enqueue_dma source(%arg5 : memref<632x128xf32, #tpu.memory_space<hbm>>) target(%dma_start3A_52 : memref<632x128xf32, #tpu.memory_space<vmem_shared>>) target_semaphore(%run_scoped3A : memref<!tpu.dma_semaphore, #tpu.memory_space<semaphore_mem>>)
      %dma_wait3A = arith.constant 0 : i32
      %dma_wait3A_53 = tpu.memref_slice %arg10[%mul3A_10, %dma_wait3A] : memref<10112x128xf32, #tpu.memory_space<vmem_shared>> -> memref<632x128xf32, #tpu.memory_space<vmem_shared>>
      tpu.wait_dma2 semaphore(%run_scoped3A : memref<!tpu.dma_semaphore, #tpu.memory_space<semaphore_mem>>) src(%arg5 : memref<632x128xf32, #tpu.memory_space<hbm>>) dst(%dma_wait3A_53 : memref<632x128xf32, #tpu.memory_space<vmem_shared>>)
      tpu.yield
    }) : () -> ()
    %barrier3A = arith.constant 0 : index
    tpu.barrier barrier_id(%barrier3A)
    %jit3A_11 = arith.constant 8 : i32
    %div3A = arith.divsi %select_n3A, %jit3A_11 : i32
    %sign3A = arith.constant 0 : i32
    %sign3A_12 = arith.cmpi sgt, %select_n3A, %sign3A : i32
    %sign3A_13 = arith.extui %sign3A_12 : i1 to i32
    %sign3A_14 = arith.constant 0 : i32
    %sign3A_15 = arith.cmpi slt, %select_n3A, %sign3A_14 : i32
    %sign3A_16 = arith.extui %sign3A_15 : i1 to i32
    %sign3A_17 = arith.subi %sign3A_13, %sign3A_16 : i32
    %sign3A_18 = arith.constant 0 : i32
    %sign3A_19 = arith.cmpi sgt, %jit3A_11, %sign3A_18 : i32
    %sign3A_20 = arith.extui %sign3A_19 : i1 to i32
    %sign3A_21 = arith.constant 0 : i32
    %sign3A_22 = arith.cmpi slt, %jit3A_11, %sign3A_21 : i32
    %sign3A_23 = arith.extui %sign3A_22 : i1 to i32
    %sign3A_24 = arith.subi %sign3A_20, %sign3A_23 : i32
    %ne3A = arith.cmpi ne, %sign3A_17, %sign3A_24 : i32
    %rem3A = arith.remsi %select_n3A, %jit3A_11 : i32
    %ne3A_25 = arith.constant 0 : i32
    %ne3A_26 = arith.cmpi ne, %rem3A, %ne3A_25 : i32
    %and3A = arith.andi %ne3A, %ne3A_26 : i1
    %sub3A = arith.constant 1 : i32
    %sub3A_27 = arith.subi %div3A, %sub3A : i32
    %select_n3A_28 = arith.select %and3A, %sub3A_27, %div3A : i32
    %sub3A_29 = arith.constant 0 : i32
    %sub3A_30 = arith.subi %select_n3A_28, %sub3A_29 : i32
    %sub3A_31 = arith.constant 1 : i32
    %sub3A_32 = arith.constant 1 : i32
    %sub3A_33 = arith.subi %sub3A_31, %sub3A_32 : i32
    %add3A_34 = arith.addi %sub3A_30, %sub3A_33 : i32
    %div3A_35 = arith.constant 1 : i32
    %div3A_36 = arith.divsi %add3A_34, %div3A_35 : i32
    %while3A = arith.constant 1 : i32
    %while3A_37 = arith.constant 0 : i32
    %while3A_38 = arith.constant 0 : i32
    %while3A_39 = arith.subi %div3A_36, %while3A_38 : i32
    %while3A_40 = arith.addi %while3A_38, %while3A_39 : i32
    %while3A_41 = arith.constant 1 : i32
    %while3A_42 = arith.divsi %while3A_39, %while3A_41 : i32
    %while3A_43 = arith.muli %while3A_42, %while3A_41 : i32
    %while3A_44 = arith.addi %while3A_38, %while3A_43 : i32
    %while3A_45 = arith.constant 1 : i32
    scf.for %while3A_52 = %while3A_38 to %while3A_44 step %while3A_45  : i32 {
      %mul3A_53 = arith.muli %while3A_52, %while3A : i32
      %add3A_54 = arith.addi %while3A_37, %mul3A_53 : i32
      %mul3A_55 = arith.constant 8 : i32
      %mul3A_56 = arith.muli %add3A_54, %mul3A_55 : i32
      %add3A_57 = arith.addi %select_n3A_8, %mul3A_56 : i32
      "tpu.region"() ({
        %run_scoped3A = tpu.sem_alloc : memref<!tpu.dma_semaphore, #tpu.memory_space<semaphore_mem>>
        %dma_start3A_81 = arith.constant 0 : i32
        %dma_start3A_82 = tpu.memref_slice %arg3[%add3A_57, %dma_start3A_81] : memref<2560x128xi32, #tpu.memory_space<hbm>> -> memref<8x128xi32, #tpu.memory_space<hbm>>
        %dma_start3A_83 = arith.constant 0 : i32
        %dma_start3A_84 = tpu.memref_slice %arg3[%add3A_57, %dma_start3A_83] : memref<2560x128xi32, #tpu.memory_space<hbm>> -> memref<8x128xi32, #tpu.memory_space<hbm>>
        tpu.enqueue_dma source(%dma_start3A_84 : memref<8x128xi32, #tpu.memory_space<hbm>>) target(%arg7 : memref<8x128xi32, #tpu.memory_space<vmem>>) target_semaphore(%run_scoped3A : memref<!tpu.dma_semaphore, #tpu.memory_space<semaphore_mem>>)
        %dma_wait3A = arith.constant 0 : i32
        %dma_wait3A_85 = tpu.memref_slice %arg3[%add3A_57, %dma_wait3A] : memref<2560x128xi32, #tpu.memory_space<hbm>> -> memref<8x128xi32, #tpu.memory_space<hbm>>
        %dma_wait3A_86 = arith.constant 0 : i32
        %dma_wait3A_87 = tpu.memref_slice %arg3[%add3A_57, %dma_wait3A_86] : memref<2560x128xi32, #tpu.memory_space<hbm>> -> memref<8x128xi32, #tpu.memory_space<hbm>>
        tpu.wait_dma2 semaphore(%run_scoped3A : memref<!tpu.dma_semaphore, #tpu.memory_space<semaphore_mem>>) src(%dma_wait3A_87 : memref<8x128xi32, #tpu.memory_space<hbm>>) dst(%arg7 : memref<8x128xi32, #tpu.memory_space<vmem>>)
        tpu.yield
      }) : () -> ()
      "tpu.region"() ({
        %run_scoped3A = tpu.sem_alloc : memref<!tpu.dma_semaphore, #tpu.memory_space<semaphore_mem>>
        %dma_start3A_81 = arith.constant 0 : i32
        %dma_start3A_82 = tpu.memref_slice %arg4[%add3A_57, %dma_start3A_81] : memref<2560x128xi32, #tpu.memory_space<hbm>> -> memref<8x128xi32, #tpu.memory_space<hbm>>
        %dma_start3A_83 = arith.constant 0 : i32
        %dma_start3A_84 = tpu.memref_slice %arg4[%add3A_57, %dma_start3A_83] : memref<2560x128xi32, #tpu.memory_space<hbm>> -> memref<8x128xi32, #tpu.memory_space<hbm>>
        tpu.enqueue_dma source(%dma_start3A_84 : memref<8x128xi32, #tpu.memory_space<hbm>>) target(%arg8 : memref<8x128xi32, #tpu.memory_space<vmem>>) target_semaphore(%run_scoped3A : memref<!tpu.dma_semaphore, #tpu.memory_space<semaphore_mem>>)
        %dma_wait3A = arith.constant 0 : i32
        %dma_wait3A_85 = tpu.memref_slice %arg4[%add3A_57, %dma_wait3A] : memref<2560x128xi32, #tpu.memory_space<hbm>> -> memref<8x128xi32, #tpu.memory_space<hbm>>
        %dma_wait3A_86 = arith.constant 0 : i32
        %dma_wait3A_87 = tpu.memref_slice %arg4[%add3A_57, %dma_wait3A_86] : memref<2560x128xi32, #tpu.memory_space<hbm>> -> memref<8x128xi32, #tpu.memory_space<hbm>>
        tpu.wait_dma2 semaphore(%run_scoped3A : memref<!tpu.dma_semaphore, #tpu.memory_space<semaphore_mem>>) src(%dma_wait3A_87 : memref<8x128xi32, #tpu.memory_space<hbm>>) dst(%arg8 : memref<8x128xi32, #tpu.memory_space<vmem>>)
        tpu.yield
      }) : () -> ()
      %dma_start3A = arith.constant 0 : i32
      %dma_start3A_58 = arith.constant 0 : i32
      %dma_start3A_59 = arith.constant 0 : i32
      %dma_start3A_60 = tpu.memref_slice %arg9[%dma_start3A_58, %dma_start3A_59] : memref<256x128xf32, #tpu.memory_space<vmem>> -> memref<128x128xf32, #tpu.memory_space<vmem>>
      %dma_start3A_61 = arith.constant 0 : i32
      %dma_start3A_62 = tpu.memref_slice %arg7[%dma_start3A, %dma_start3A_61] : memref<8x128xi32, #tpu.memory_space<vmem>> -> memref<1x128xi32, #tpu.memory_space<vmem>>
      %dma_start3A_63 = tpu.memref_squeeze %dma_start3A_62 : memref<1x128xi32, #tpu.memory_space<vmem>> -> memref<128xi32, #tpu.memory_space<vmem>>
      %dma_start3A_64 = arith.constant 0 : i32
      %dma_start3A_65 = arith.constant 0 : i32
      %dma_start3A_66 = tpu.memref_slice %arg2[%dma_start3A_64, %dma_start3A_65] : memref<10000x128xf32, #tpu.memory_space<hbm>> -> memref<10000x128xf32, #tpu.memory_space<hbm>>
      tpu.enqueue_indirect_dma source(%dma_start3A_66 : memref<10000x128xf32, #tpu.memory_space<hbm>>) target(%dma_start3A_60 : memref<128x128xf32, #tpu.memory_space<vmem>>) offsets(%dma_start3A_63 : memref<128xi32, #tpu.memory_space<vmem>>) semaphore(%arg11 : memref<!tpu.dma_semaphore, #tpu.memory_space<semaphore_mem>>)
      %dma_start3A_67 = arith.constant 1 : i32
      %dma_start3A_68 = arith.constant 128 : i32
      %dma_start3A_69 = arith.constant 0 : i32
      %dma_start3A_70 = tpu.memref_slice %arg9[%dma_start3A_68, %dma_start3A_69] : memref<256x128xf32, #tpu.memory_space<vmem>> -> memref<128x128xf32, #tpu.memory_space<vmem>>
      %dma_start3A_71 = arith.constant 0 : i32
      %dma_start3A_72 = tpu.memref_slice %arg7[%dma_start3A_67, %dma_start3A_71] : memref<8x128xi32, #tpu.memory_space<vmem>> -> memref<1x128xi32, #tpu.memory_space<vmem>>
      %dma_start3A_73 = tpu.memref_squeeze %dma_start3A_72 : memref<1x128xi32, #tpu.memory_space<vmem>> -> memref<128xi32, #tpu.memory_space<vmem>>
      %dma_start3A_74 = arith.constant 0 : i32
      %dma_start3A_75 = arith.constant 0 : i32
      %dma_start3A_76 = tpu.memref_slice %arg2[%dma_start3A_74, %dma_start3A_75] : memref<10000x128xf32, #tpu.memory_space<hbm>> -> memref<10000x128xf32, #tpu.memory_space<hbm>>
      tpu.enqueue_indirect_dma source(%dma_start3A_76 : memref<10000x128xf32, #tpu.memory_space<hbm>>) target(%dma_start3A_70 : memref<128x128xf32, #tpu.memory_space<vmem>>) offsets(%dma_start3A_73 : memref<128xi32, #tpu.memory_space<vmem>>) semaphore(%arg11 : memref<!tpu.dma_semaphore, #tpu.memory_space<semaphore_mem>>)
      %scan3A = arith.constant 0 : i32
      %scan3A_77 = arith.constant 4 : i32
      %scan3A_78 = arith.addi %scan3A, %scan3A_77 : i32
      %scan3A_79 = arith.constant 1 : i32
      scf.for %scan3A_81 = %scan3A to %scan3A_78 step %scan3A_79  : i32 {
        %mul3A_82 = arith.constant 1 : i32
        %mul3A_83 = arith.muli %scan3A_81, %mul3A_82 : i32
        %add3A_84 = arith.constant 0 : i32
        %add3A_85 = arith.addi %add3A_84, %mul3A_83 : i32
        %mul3A_86 = arith.constant 2 : i32
        %mul3A_87 = arith.muli %add3A_85, %mul3A_86 : i32
        %dma_wait3A = arith.constant 0 : i32
        %dma_wait3A_88 = arith.constant 0 : i32
        %dma_wait3A_89 = tpu.memref_slice %arg9[%dma_wait3A, %dma_wait3A_88] : memref<256x128xf32, #tpu.memory_space<vmem>> -> memref<128x128xf32, #tpu.memory_space<vmem>>
        %dma_wait3A_90 = arith.constant 0 : i32
        %dma_wait3A_91 = tpu.memref_slice %arg7[%mul3A_87, %dma_wait3A_90] : memref<8x128xi32, #tpu.memory_space<vmem>> -> memref<1x128xi32, #tpu.memory_space<vmem>>
        %dma_wait3A_92 = tpu.memref_squeeze %dma_wait3A_91 : memref<1x128xi32, #tpu.memory_space<vmem>> -> memref<128xi32, #tpu.memory_space<vmem>>
        %dma_wait3A_93 = arith.constant 0 : i32
        %dma_wait3A_94 = arith.constant 0 : i32
        %dma_wait3A_95 = tpu.memref_slice %arg2[%dma_wait3A_93, %dma_wait3A_94] : memref<10000x128xf32, #tpu.memory_space<hbm>> -> memref<10000x128xf32, #tpu.memory_space<hbm>>
        tpu.wait_indirect_dma semaphore(%arg11 : memref<!tpu.dma_semaphore, #tpu.memory_space<semaphore_mem>>) src(%dma_wait3A_95 : memref<10000x128xf32, #tpu.memory_space<hbm>>) dst(%dma_wait3A_89 : memref<128x128xf32, #tpu.memory_space<vmem>>)
        "tpu.region"() ({
          %run_scoped3A = tpu.sem_alloc : memref<!tpu.dma_semaphore, #tpu.memory_space<semaphore_mem>>
          %dma_start3A_116 = arith.constant 0 : i32
          %dma_start3A_117 = arith.constant 0 : i32
          %dma_start3A_118 = tpu.memref_slice %arg9[%dma_start3A_116, %dma_start3A_117] : memref<256x128xf32, #tpu.memory_space<vmem>> -> memref<128x128xf32, #tpu.memory_space<vmem>>
          %dma_start3A_119 = arith.constant 0 : i32
          %dma_start3A_120 = tpu.memref_slice %arg8[%mul3A_87, %dma_start3A_119] : memref<8x128xi32, #tpu.memory_space<vmem>> -> memref<1x128xi32, #tpu.memory_space<vmem>>
          %dma_start3A_121 = tpu.memref_squeeze %dma_start3A_120 : memref<1x128xi32, #tpu.memory_space<vmem>> -> memref<128xi32, #tpu.memory_space<vmem>>
          %dma_start3A_122 = arith.constant 0 : i32
          %dma_start3A_123 = arith.constant 0 : i32
          %dma_start3A_124 = tpu.memref_slice %arg10[%dma_start3A_122, %dma_start3A_123] : memref<10112x128xf32, #tpu.memory_space<vmem_shared>> -> memref<10112x128xf32, #tpu.memory_space<vmem_shared>>
          tpu.enqueue_indirect_dma source(%dma_start3A_118 : memref<128x128xf32, #tpu.memory_space<vmem>>) target(%dma_start3A_124 : memref<10112x128xf32, #tpu.memory_space<vmem_shared>>) offsets(%dma_start3A_121 : memref<128xi32, #tpu.memory_space<vmem>>) semaphore(%run_scoped3A : memref<!tpu.dma_semaphore, #tpu.memory_space<semaphore_mem>>) {add = true}
          %dma_wait3A_125 = arith.constant 0 : i32
          %dma_wait3A_126 = arith.constant 0 : i32
          %dma_wait3A_127 = tpu.memref_slice %arg9[%dma_wait3A_125, %dma_wait3A_126] : memref<256x128xf32, #tpu.memory_space<vmem>> -> memref<128x128xf32, #tpu.memory_space<vmem>>
          %dma_wait3A_128 = arith.constant 0 : i32
          %dma_wait3A_129 = tpu.memref_slice %arg8[%mul3A_87, %dma_wait3A_128] : memref<8x128xi32, #tpu.memory_space<vmem>> -> memref<1x128xi32, #tpu.memory_space<vmem>>
          %dma_wait3A_130 = tpu.memref_squeeze %dma_wait3A_129 : memref<1x128xi32, #tpu.memory_space<vmem>> -> memref<128xi32, #tpu.memory_space<vmem>>
          %dma_wait3A_131 = arith.constant 0 : i32
          %dma_wait3A_132 = arith.constant 0 : i32
          %dma_wait3A_133 = tpu.memref_slice %arg10[%dma_wait3A_131, %dma_wait3A_132] : memref<10112x128xf32, #tpu.memory_space<vmem_shared>> -> memref<10112x128xf32, #tpu.memory_space<vmem_shared>>
          tpu.wait_indirect_dma semaphore(%run_scoped3A : memref<!tpu.dma_semaphore, #tpu.memory_space<semaphore_mem>>) src(%dma_wait3A_127 : memref<128x128xf32, #tpu.memory_space<vmem>>) dst(%dma_wait3A_133 : memref<10112x128xf32, #tpu.memory_space<vmem_shared>>)
          tpu.yield
        }) : () -> ()
        %lt3A = arith.constant 3 : i32
        %lt3A_96 = arith.cmpi slt, %add3A_85, %lt3A : i32
        %convert_element_type3A = arith.extui %lt3A_96 : i1 to i32
        %cond3A = arith.constant 0 : i32
        %cond3A_97 = arith.cmpi ne, %convert_element_type3A, %cond3A : i32
        scf.if %cond3A_97 {
          %add3A_116 = arith.constant 2 : i32
          %add3A_117 = arith.addi %mul3A_87, %add3A_116 : i32
          %dma_start3A_118 = arith.constant 0 : i32
          %dma_start3A_119 = arith.constant 0 : i32
          %dma_start3A_120 = tpu.memref_slice %arg9[%dma_start3A_118, %dma_start3A_119] : memref<256x128xf32, #tpu.memory_space<vmem>> -> memref<128x128xf32, #tpu.memory_space<vmem>>
          %dma_start3A_121 = arith.constant 0 : i32
          %dma_start3A_122 = tpu.memref_slice %arg7[%add3A_117, %dma_start3A_121] : memref<8x128xi32, #tpu.memory_space<vmem>> -> memref<1x128xi32, #tpu.memory_space<vmem>>
          %dma_start3A_123 = tpu.memref_squeeze %dma_start3A_122 : memref<1x128xi32, #tpu.memory_space<vmem>> -> memref<128xi32, #tpu.memory_space<vmem>>
          %dma_start3A_124 = arith.constant 0 : i32
          %dma_start3A_125 = arith.constant 0 : i32
          %dma_start3A_126 = tpu.memref_slice %arg2[%dma_start3A_124, %dma_start3A_125] : memref<10000x128xf32, #tpu.memory_space<hbm>> -> memref<10000x128xf32, #tpu.memory_space<hbm>>
          tpu.enqueue_indirect_dma source(%dma_start3A_126 : memref<10000x128xf32, #tpu.memory_space<hbm>>) target(%dma_start3A_120 : memref<128x128xf32, #tpu.memory_space<vmem>>) offsets(%dma_start3A_123 : memref<128xi32, #tpu.memory_space<vmem>>) semaphore(%arg11 : memref<!tpu.dma_semaphore, #tpu.memory_space<semaphore_mem>>)
        } else {
        }
        %add3A_98 = arith.constant 1 : i32
        %add3A_99 = arith.addi %mul3A_87, %add3A_98 : i32
        %dma_wait3A_100 = arith.constant 128 : i32
        %dma_wait3A_101 = arith.constant 0 : i32
        %dma_wait3A_102 = tpu.memref_slice %arg9[%dma_wait3A_100, %dma_wait3A_101] : memref<256x128xf32, #tpu.memory_space<vmem>> -> memref<128x128xf32, #tpu.memory_space<vmem>>
        %dma_wait3A_103 = arith.constant 0 : i32
        %dma_wait3A_104 = tpu.memref_slice %arg7[%add3A_99, %dma_wait3A_103] : memref<8x128xi32, #tpu.memory_space<vmem>> -> memref<1x128xi32, #tpu.memory_space<vmem>>
        %dma_wait3A_105 = tpu.memref_squeeze %dma_wait3A_104 : memref<1x128xi32, #tpu.memory_space<vmem>> -> memref<128xi32, #tpu.memory_space<vmem>>
        %dma_wait3A_106 = arith.constant 0 : i32
        %dma_wait3A_107 = arith.constant 0 : i32
        %dma_wait3A_108 = tpu.memref_slice %arg2[%dma_wait3A_106, %dma_wait3A_107] : memref<10000x128xf32, #tpu.memory_space<hbm>> -> memref<10000x128xf32, #tpu.memory_space<hbm>>
        tpu.wait_indirect_dma semaphore(%arg11 : memref<!tpu.dma_semaphore, #tpu.memory_space<semaphore_mem>>) src(%dma_wait3A_108 : memref<10000x128xf32, #tpu.memory_space<hbm>>) dst(%dma_wait3A_102 : memref<128x128xf32, #tpu.memory_space<vmem>>)
        %add3A_109 = arith.constant 1 : i32
        %add3A_110 = arith.addi %mul3A_87, %add3A_109 : i32
        "tpu.region"() ({
          %run_scoped3A = tpu.sem_alloc : memref<!tpu.dma_semaphore, #tpu.memory_space<semaphore_mem>>
          %dma_start3A_116 = arith.constant 128 : i32
          %dma_start3A_117 = arith.constant 0 : i32
          %dma_start3A_118 = tpu.memref_slice %arg9[%dma_start3A_116, %dma_start3A_117] : memref<256x128xf32, #tpu.memory_space<vmem>> -> memref<128x128xf32, #tpu.memory_space<vmem>>
          %dma_start3A_119 = arith.constant 0 : i32
          %dma_start3A_120 = tpu.memref_slice %arg8[%add3A_110, %dma_start3A_119] : memref<8x128xi32, #tpu.memory_space<vmem>> -> memref<1x128xi32, #tpu.memory_space<vmem>>
          %dma_start3A_121 = tpu.memref_squeeze %dma_start3A_120 : memref<1x128xi32, #tpu.memory_space<vmem>> -> memref<128xi32, #tpu.memory_space<vmem>>
          %dma_start3A_122 = arith.constant 0 : i32
          %dma_start3A_123 = arith.constant 0 : i32
          %dma_start3A_124 = tpu.memref_slice %arg10[%dma_start3A_122, %dma_start3A_123] : memref<10112x128xf32, #tpu.memory_space<vmem_shared>> -> memref<10112x128xf32, #tpu.memory_space<vmem_shared>>
          tpu.enqueue_indirect_dma source(%dma_start3A_118 : memref<128x128xf32, #tpu.memory_space<vmem>>) target(%dma_start3A_124 : memref<10112x128xf32, #tpu.memory_space<vmem_shared>>) offsets(%dma_start3A_121 : memref<128xi32, #tpu.memory_space<vmem>>) semaphore(%run_scoped3A : memref<!tpu.dma_semaphore, #tpu.memory_space<semaphore_mem>>) {add = true}
          %dma_wait3A_125 = arith.constant 128 : i32
          %dma_wait3A_126 = arith.constant 0 : i32
          %dma_wait3A_127 = tpu.memref_slice %arg9[%dma_wait3A_125, %dma_wait3A_126] : memref<256x128xf32, #tpu.memory_space<vmem>> -> memref<128x128xf32, #tpu.memory_space<vmem>>
          %dma_wait3A_128 = arith.constant 0 : i32
          %dma_wait3A_129 = tpu.memref_slice %arg8[%add3A_110, %dma_wait3A_128] : memref<8x128xi32, #tpu.memory_space<vmem>> -> memref<1x128xi32, #tpu.memory_space<vmem>>
          %dma_wait3A_130 = tpu.memref_squeeze %dma_wait3A_129 : memref<1x128xi32, #tpu.memory_space<vmem>> -> memref<128xi32, #tpu.memory_space<vmem>>
          %dma_wait3A_131 = arith.constant 0 : i32
          %dma_wait3A_132 = arith.constant 0 : i32
          %dma_wait3A_133 = tpu.memref_slice %arg10[%dma_wait3A_131, %dma_wait3A_132] : memref<10112x128xf32, #tpu.memory_space<vmem_shared>> -> memref<10112x128xf32, #tpu.memory_space<vmem_shared>>
          tpu.wait_indirect_dma semaphore(%run_scoped3A : memref<!tpu.dma_semaphore, #tpu.memory_space<semaphore_mem>>) src(%dma_wait3A_127 : memref<128x128xf32, #tpu.memory_space<vmem>>) dst(%dma_wait3A_133 : memref<10112x128xf32, #tpu.memory_space<vmem_shared>>)
          tpu.yield
        }) : () -> ()
        %lt3A_111 = arith.constant 3 : i32
        %lt3A_112 = arith.cmpi slt, %add3A_85, %lt3A_111 : i32
        %convert_element_type3A_113 = arith.extui %lt3A_112 : i1 to i32
        %cond3A_114 = arith.constant 0 : i32
        %cond3A_115 = arith.cmpi ne, %convert_element_type3A_113, %cond3A_114 : i32
        scf.if %cond3A_115 {
          %add3A_116 = arith.constant 3 : i32
          %add3A_117 = arith.addi %mul3A_87, %add3A_116 : i32
          %dma_start3A_118 = arith.constant 128 : i32
          %dma_start3A_119 = arith.constant 0 : i32
          %dma_start3A_120 = tpu.memref_slice %arg9[%dma_start3A_118, %dma_start3A_119] : memref<256x128xf32, #tpu.memory_space<vmem>> -> memref<128x128xf32, #tpu.memory_space<vmem>>
          %dma_start3A_121 = arith.constant 0 : i32
          %dma_start3A_122 = tpu.memref_slice %arg7[%add3A_117, %dma_start3A_121] : memref<8x128xi32, #tpu.memory_space<vmem>> -> memref<1x128xi32, #tpu.memory_space<vmem>>
          %dma_start3A_123 = tpu.memref_squeeze %dma_start3A_122 : memref<1x128xi32, #tpu.memory_space<vmem>> -> memref<128xi32, #tpu.memory_space<vmem>>
          %dma_start3A_124 = arith.constant 0 : i32
          %dma_start3A_125 = arith.constant 0 : i32
          %dma_start3A_126 = tpu.memref_slice %arg2[%dma_start3A_124, %dma_start3A_125] : memref<10000x128xf32, #tpu.memory_space<hbm>> -> memref<10000x128xf32, #tpu.memory_space<hbm>>
          tpu.enqueue_indirect_dma source(%dma_start3A_126 : memref<10000x128xf32, #tpu.memory_space<hbm>>) target(%dma_start3A_120 : memref<128x128xf32, #tpu.memory_space<vmem>>) offsets(%dma_start3A_123 : memref<128xi32, #tpu.memory_space<vmem>>) semaphore(%arg11 : memref<!tpu.dma_semaphore, #tpu.memory_space<semaphore_mem>>)
        } else {
        }
      }
      %scan3A_80 = arith.constant 4 : i32
    }
    %while3A_46 = arith.constant 1 : i32
    scf.for %while3A_52 = %while3A_44 to %while3A_40 step %while3A_46  : i32 {
      %mul3A_53 = arith.muli %while3A_52, %while3A : i32
      %add3A_54 = arith.addi %while3A_37, %mul3A_53 : i32
      %mul3A_55 = arith.constant 8 : i32
      %mul3A_56 = arith.muli %add3A_54, %mul3A_55 : i32
      %add3A_57 = arith.addi %select_n3A_8, %mul3A_56 : i32
      "tpu.region"() ({
        %run_scoped3A = tpu.sem_alloc : memref<!tpu.dma_semaphore, #tpu.memory_space<semaphore_mem>>
        %dma_start3A_81 = arith.constant 0 : i32
        %dma_start3A_82 = tpu.memref_slice %arg3[%add3A_57, %dma_start3A_81] : memref<2560x128xi32, #tpu.memory_space<hbm>> -> memref<8x128xi32, #tpu.memory_space<hbm>>
        %dma_start3A_83 = arith.constant 0 : i32
        %dma_start3A_84 = tpu.memref_slice %arg3[%add3A_57, %dma_start3A_83] : memref<2560x128xi32, #tpu.memory_space<hbm>> -> memref<8x128xi32, #tpu.memory_space<hbm>>
        tpu.enqueue_dma source(%dma_start3A_84 : memref<8x128xi32, #tpu.memory_space<hbm>>) target(%arg7 : memref<8x128xi32, #tpu.memory_space<vmem>>) target_semaphore(%run_scoped3A : memref<!tpu.dma_semaphore, #tpu.memory_space<semaphore_mem>>)
        %dma_wait3A = arith.constant 0 : i32
        %dma_wait3A_85 = tpu.memref_slice %arg3[%add3A_57, %dma_wait3A] : memref<2560x128xi32, #tpu.memory_space<hbm>> -> memref<8x128xi32, #tpu.memory_space<hbm>>
        %dma_wait3A_86 = arith.constant 0 : i32
        %dma_wait3A_87 = tpu.memref_slice %arg3[%add3A_57, %dma_wait3A_86] : memref<2560x128xi32, #tpu.memory_space<hbm>> -> memref<8x128xi32, #tpu.memory_space<hbm>>
        tpu.wait_dma2 semaphore(%run_scoped3A : memref<!tpu.dma_semaphore, #tpu.memory_space<semaphore_mem>>) src(%dma_wait3A_87 : memref<8x128xi32, #tpu.memory_space<hbm>>) dst(%arg7 : memref<8x128xi32, #tpu.memory_space<vmem>>)
        tpu.yield
      }) : () -> ()
      "tpu.region"() ({
        %run_scoped3A = tpu.sem_alloc : memref<!tpu.dma_semaphore, #tpu.memory_space<semaphore_mem>>
        %dma_start3A_81 = arith.constant 0 : i32
        %dma_start3A_82 = tpu.memref_slice %arg4[%add3A_57, %dma_start3A_81] : memref<2560x128xi32, #tpu.memory_space<hbm>> -> memref<8x128xi32, #tpu.memory_space<hbm>>
        %dma_start3A_83 = arith.constant 0 : i32
        %dma_start3A_84 = tpu.memref_slice %arg4[%add3A_57, %dma_start3A_83] : memref<2560x128xi32, #tpu.memory_space<hbm>> -> memref<8x128xi32, #tpu.memory_space<hbm>>
        tpu.enqueue_dma source(%dma_start3A_84 : memref<8x128xi32, #tpu.memory_space<hbm>>) target(%arg8 : memref<8x128xi32, #tpu.memory_space<vmem>>) target_semaphore(%run_scoped3A : memref<!tpu.dma_semaphore, #tpu.memory_space<semaphore_mem>>)
        %dma_wait3A = arith.constant 0 : i32
        %dma_wait3A_85 = tpu.memref_slice %arg4[%add3A_57, %dma_wait3A] : memref<2560x128xi32, #tpu.memory_space<hbm>> -> memref<8x128xi32, #tpu.memory_space<hbm>>
        %dma_wait3A_86 = arith.constant 0 : i32
        %dma_wait3A_87 = tpu.memref_slice %arg4[%add3A_57, %dma_wait3A_86] : memref<2560x128xi32, #tpu.memory_space<hbm>> -> memref<8x128xi32, #tpu.memory_space<hbm>>
        tpu.wait_dma2 semaphore(%run_scoped3A : memref<!tpu.dma_semaphore, #tpu.memory_space<semaphore_mem>>) src(%dma_wait3A_87 : memref<8x128xi32, #tpu.memory_space<hbm>>) dst(%arg8 : memref<8x128xi32, #tpu.memory_space<vmem>>)
        tpu.yield
      }) : () -> ()
      %dma_start3A = arith.constant 0 : i32
      %dma_start3A_58 = arith.constant 0 : i32
      %dma_start3A_59 = arith.constant 0 : i32
      %dma_start3A_60 = tpu.memref_slice %arg9[%dma_start3A_58, %dma_start3A_59] : memref<256x128xf32, #tpu.memory_space<vmem>> -> memref<128x128xf32, #tpu.memory_space<vmem>>
      %dma_start3A_61 = arith.constant 0 : i32
      %dma_start3A_62 = tpu.memref_slice %arg7[%dma_start3A, %dma_start3A_61] : memref<8x128xi32, #tpu.memory_space<vmem>> -> memref<1x128xi32, #tpu.memory_space<vmem>>
      %dma_start3A_63 = tpu.memref_squeeze %dma_start3A_62 : memref<1x128xi32, #tpu.memory_space<vmem>> -> memref<128xi32, #tpu.memory_space<vmem>>
      %dma_start3A_64 = arith.constant 0 : i32
      %dma_start3A_65 = arith.constant 0 : i32
      %dma_start3A_66 = tpu.memref_slice %arg2[%dma_start3A_64, %dma_start3A_65] : memref<10000x128xf32, #tpu.memory_space<hbm>> -> memref<10000x128xf32, #tpu.memory_space<hbm>>
      tpu.enqueue_indirect_dma source(%dma_start3A_66 : memref<10000x128xf32, #tpu.memory_space<hbm>>) target(%dma_start3A_60 : memref<128x128xf32, #tpu.memory_space<vmem>>) offsets(%dma_start3A_63 : memref<128xi32, #tpu.memory_space<vmem>>) semaphore(%arg11 : memref<!tpu.dma_semaphore, #tpu.memory_space<semaphore_mem>>)
      %dma_start3A_67 = arith.constant 1 : i32
      %dma_start3A_68 = arith.constant 128 : i32
      %dma_start3A_69 = arith.constant 0 : i32
      %dma_start3A_70 = tpu.memref_slice %arg9[%dma_start3A_68, %dma_start3A_69] : memref<256x128xf32, #tpu.memory_space<vmem>> -> memref<128x128xf32, #tpu.memory_space<vmem>>
      %dma_start3A_71 = arith.constant 0 : i32
      %dma_start3A_72 = tpu.memref_slice %arg7[%dma_start3A_67, %dma_start3A_71] : memref<8x128xi32, #tpu.memory_space<vmem>> -> memref<1x128xi32, #tpu.memory_space<vmem>>
      %dma_start3A_73 = tpu.memref_squeeze %dma_start3A_72 : memref<1x128xi32, #tpu.memory_space<vmem>> -> memref<128xi32, #tpu.memory_space<vmem>>
      %dma_start3A_74 = arith.constant 0 : i32
      %dma_start3A_75 = arith.constant 0 : i32
      %dma_start3A_76 = tpu.memref_slice %arg2[%dma_start3A_74, %dma_start3A_75] : memref<10000x128xf32, #tpu.memory_space<hbm>> -> memref<10000x128xf32, #tpu.memory_space<hbm>>
      tpu.enqueue_indirect_dma source(%dma_start3A_76 : memref<10000x128xf32, #tpu.memory_space<hbm>>) target(%dma_start3A_70 : memref<128x128xf32, #tpu.memory_space<vmem>>) offsets(%dma_start3A_73 : memref<128xi32, #tpu.memory_space<vmem>>) semaphore(%arg11 : memref<!tpu.dma_semaphore, #tpu.memory_space<semaphore_mem>>)
      %scan3A = arith.constant 0 : i32
      %scan3A_77 = arith.constant 4 : i32
      %scan3A_78 = arith.addi %scan3A, %scan3A_77 : i32
      %scan3A_79 = arith.constant 1 : i32
      scf.for %scan3A_81 = %scan3A to %scan3A_78 step %scan3A_79  : i32 {
        %mul3A_82 = arith.constant 1 : i32
        %mul3A_83 = arith.muli %scan3A_81, %mul3A_82 : i32
        %add3A_84 = arith.constant 0 : i32
        %add3A_85 = arith.addi %add3A_84, %mul3A_83 : i32
        %mul3A_86 = arith.constant 2 : i32
        %mul3A_87 = arith.muli %add3A_85, %mul3A_86 : i32
        %dma_wait3A = arith.constant 0 : i32
        %dma_wait3A_88 = arith.constant 0 : i32
        %dma_wait3A_89 = tpu.memref_slice %arg9[%dma_wait3A, %dma_wait3A_88] : memref<256x128xf32, #tpu.memory_space<vmem>> -> memref<128x128xf32, #tpu.memory_space<vmem>>
        %dma_wait3A_90 = arith.constant 0 : i32
        %dma_wait3A_91 = tpu.memref_slice %arg7[%mul3A_87, %dma_wait3A_90] : memref<8x128xi32, #tpu.memory_space<vmem>> -> memref<1x128xi32, #tpu.memory_space<vmem>>
        %dma_wait3A_92 = tpu.memref_squeeze %dma_wait3A_91 : memref<1x128xi32, #tpu.memory_space<vmem>> -> memref<128xi32, #tpu.memory_space<vmem>>
        %dma_wait3A_93 = arith.constant 0 : i32
        %dma_wait3A_94 = arith.constant 0 : i32
        %dma_wait3A_95 = tpu.memref_slice %arg2[%dma_wait3A_93, %dma_wait3A_94] : memref<10000x128xf32, #tpu.memory_space<hbm>> -> memref<10000x128xf32, #tpu.memory_space<hbm>>
        tpu.wait_indirect_dma semaphore(%arg11 : memref<!tpu.dma_semaphore, #tpu.memory_space<semaphore_mem>>) src(%dma_wait3A_95 : memref<10000x128xf32, #tpu.memory_space<hbm>>) dst(%dma_wait3A_89 : memref<128x128xf32, #tpu.memory_space<vmem>>)
        "tpu.region"() ({
          %run_scoped3A = tpu.sem_alloc : memref<!tpu.dma_semaphore, #tpu.memory_space<semaphore_mem>>
          %dma_start3A_116 = arith.constant 0 : i32
          %dma_start3A_117 = arith.constant 0 : i32
          %dma_start3A_118 = tpu.memref_slice %arg9[%dma_start3A_116, %dma_start3A_117] : memref<256x128xf32, #tpu.memory_space<vmem>> -> memref<128x128xf32, #tpu.memory_space<vmem>>
          %dma_start3A_119 = arith.constant 0 : i32
          %dma_start3A_120 = tpu.memref_slice %arg8[%mul3A_87, %dma_start3A_119] : memref<8x128xi32, #tpu.memory_space<vmem>> -> memref<1x128xi32, #tpu.memory_space<vmem>>
          %dma_start3A_121 = tpu.memref_squeeze %dma_start3A_120 : memref<1x128xi32, #tpu.memory_space<vmem>> -> memref<128xi32, #tpu.memory_space<vmem>>
          %dma_start3A_122 = arith.constant 0 : i32
          %dma_start3A_123 = arith.constant 0 : i32
          %dma_start3A_124 = tpu.memref_slice %arg10[%dma_start3A_122, %dma_start3A_123] : memref<10112x128xf32, #tpu.memory_space<vmem_shared>> -> memref<10112x128xf32, #tpu.memory_space<vmem_shared>>
          tpu.enqueue_indirect_dma source(%dma_start3A_118 : memref<128x128xf32, #tpu.memory_space<vmem>>) target(%dma_start3A_124 : memref<10112x128xf32, #tpu.memory_space<vmem_shared>>) offsets(%dma_start3A_121 : memref<128xi32, #tpu.memory_space<vmem>>) semaphore(%run_scoped3A : memref<!tpu.dma_semaphore, #tpu.memory_space<semaphore_mem>>) {add = true}
          %dma_wait3A_125 = arith.constant 0 : i32
          %dma_wait3A_126 = arith.constant 0 : i32
          %dma_wait3A_127 = tpu.memref_slice %arg9[%dma_wait3A_125, %dma_wait3A_126] : memref<256x128xf32, #tpu.memory_space<vmem>> -> memref<128x128xf32, #tpu.memory_space<vmem>>
          %dma_wait3A_128 = arith.constant 0 : i32
          %dma_wait3A_129 = tpu.memref_slice %arg8[%mul3A_87, %dma_wait3A_128] : memref<8x128xi32, #tpu.memory_space<vmem>> -> memref<1x128xi32, #tpu.memory_space<vmem>>
          %dma_wait3A_130 = tpu.memref_squeeze %dma_wait3A_129 : memref<1x128xi32, #tpu.memory_space<vmem>> -> memref<128xi32, #tpu.memory_space<vmem>>
          %dma_wait3A_131 = arith.constant 0 : i32
          %dma_wait3A_132 = arith.constant 0 : i32
          %dma_wait3A_133 = tpu.memref_slice %arg10[%dma_wait3A_131, %dma_wait3A_132] : memref<10112x128xf32, #tpu.memory_space<vmem_shared>> -> memref<10112x128xf32, #tpu.memory_space<vmem_shared>>
          tpu.wait_indirect_dma semaphore(%run_scoped3A : memref<!tpu.dma_semaphore, #tpu.memory_space<semaphore_mem>>) src(%dma_wait3A_127 : memref<128x128xf32, #tpu.memory_space<vmem>>) dst(%dma_wait3A_133 : memref<10112x128xf32, #tpu.memory_space<vmem_shared>>)
          tpu.yield
        }) : () -> ()
        %lt3A = arith.constant 3 : i32
        %lt3A_96 = arith.cmpi slt, %add3A_85, %lt3A : i32
        %convert_element_type3A = arith.extui %lt3A_96 : i1 to i32
        %cond3A = arith.constant 0 : i32
        %cond3A_97 = arith.cmpi ne, %convert_element_type3A, %cond3A : i32
        scf.if %cond3A_97 {
          %add3A_116 = arith.constant 2 : i32
          %add3A_117 = arith.addi %mul3A_87, %add3A_116 : i32
          %dma_start3A_118 = arith.constant 0 : i32
          %dma_start3A_119 = arith.constant 0 : i32
          %dma_start3A_120 = tpu.memref_slice %arg9[%dma_start3A_118, %dma_start3A_119] : memref<256x128xf32, #tpu.memory_space<vmem>> -> memref<128x128xf32, #tpu.memory_space<vmem>>
          %dma_start3A_121 = arith.constant 0 : i32
          %dma_start3A_122 = tpu.memref_slice %arg7[%add3A_117, %dma_start3A_121] : memref<8x128xi32, #tpu.memory_space<vmem>> -> memref<1x128xi32, #tpu.memory_space<vmem>>
          %dma_start3A_123 = tpu.memref_squeeze %dma_start3A_122 : memref<1x128xi32, #tpu.memory_space<vmem>> -> memref<128xi32, #tpu.memory_space<vmem>>
          %dma_start3A_124 = arith.constant 0 : i32
          %dma_start3A_125 = arith.constant 0 : i32
          %dma_start3A_126 = tpu.memref_slice %arg2[%dma_start3A_124, %dma_start3A_125] : memref<10000x128xf32, #tpu.memory_space<hbm>> -> memref<10000x128xf32, #tpu.memory_space<hbm>>
          tpu.enqueue_indirect_dma source(%dma_start3A_126 : memref<10000x128xf32, #tpu.memory_space<hbm>>) target(%dma_start3A_120 : memref<128x128xf32, #tpu.memory_space<vmem>>) offsets(%dma_start3A_123 : memref<128xi32, #tpu.memory_space<vmem>>) semaphore(%arg11 : memref<!tpu.dma_semaphore, #tpu.memory_space<semaphore_mem>>)
        } else {
        }
        %add3A_98 = arith.constant 1 : i32
        %add3A_99 = arith.addi %mul3A_87, %add3A_98 : i32
        %dma_wait3A_100 = arith.constant 128 : i32
        %dma_wait3A_101 = arith.constant 0 : i32
        %dma_wait3A_102 = tpu.memref_slice %arg9[%dma_wait3A_100, %dma_wait3A_101] : memref<256x128xf32, #tpu.memory_space<vmem>> -> memref<128x128xf32, #tpu.memory_space<vmem>>
        %dma_wait3A_103 = arith.constant 0 : i32
        %dma_wait3A_104 = tpu.memref_slice %arg7[%add3A_99, %dma_wait3A_103] : memref<8x128xi32, #tpu.memory_space<vmem>> -> memref<1x128xi32, #tpu.memory_space<vmem>>
        %dma_wait3A_105 = tpu.memref_squeeze %dma_wait3A_104 : memref<1x128xi32, #tpu.memory_space<vmem>> -> memref<128xi32, #tpu.memory_space<vmem>>
        %dma_wait3A_106 = arith.constant 0 : i32
        %dma_wait3A_107 = arith.constant 0 : i32
        %dma_wait3A_108 = tpu.memref_slice %arg2[%dma_wait3A_106, %dma_wait3A_107] : memref<10000x128xf32, #tpu.memory_space<hbm>> -> memref<10000x128xf32, #tpu.memory_space<hbm>>
        tpu.wait_indirect_dma semaphore(%arg11 : memref<!tpu.dma_semaphore, #tpu.memory_space<semaphore_mem>>) src(%dma_wait3A_108 : memref<10000x128xf32, #tpu.memory_space<hbm>>) dst(%dma_wait3A_102 : memref<128x128xf32, #tpu.memory_space<vmem>>)
        %add3A_109 = arith.constant 1 : i32
        %add3A_110 = arith.addi %mul3A_87, %add3A_109 : i32
        "tpu.region"() ({
          %run_scoped3A = tpu.sem_alloc : memref<!tpu.dma_semaphore, #tpu.memory_space<semaphore_mem>>
          %dma_start3A_116 = arith.constant 128 : i32
          %dma_start3A_117 = arith.constant 0 : i32
          %dma_start3A_118 = tpu.memref_slice %arg9[%dma_start3A_116, %dma_start3A_117] : memref<256x128xf32, #tpu.memory_space<vmem>> -> memref<128x128xf32, #tpu.memory_space<vmem>>
          %dma_start3A_119 = arith.constant 0 : i32
          %dma_start3A_120 = tpu.memref_slice %arg8[%add3A_110, %dma_start3A_119] : memref<8x128xi32, #tpu.memory_space<vmem>> -> memref<1x128xi32, #tpu.memory_space<vmem>>
          %dma_start3A_121 = tpu.memref_squeeze %dma_start3A_120 : memref<1x128xi32, #tpu.memory_space<vmem>> -> memref<128xi32, #tpu.memory_space<vmem>>
          %dma_start3A_122 = arith.constant 0 : i32
          %dma_start3A_123 = arith.constant 0 : i32
          %dma_start3A_124 = tpu.memref_slice %arg10[%dma_start3A_122, %dma_start3A_123] : memref<10112x128xf32, #tpu.memory_space<vmem_shared>> -> memref<10112x128xf32, #tpu.memory_space<vmem_shared>>
          tpu.enqueue_indirect_dma source(%dma_start3A_118 : memref<128x128xf32, #tpu.memory_space<vmem>>) target(%dma_start3A_124 : memref<10112x128xf32, #tpu.memory_space<vmem_shared>>) offsets(%dma_start3A_121 : memref<128xi32, #tpu.memory_space<vmem>>) semaphore(%run_scoped3A : memref<!tpu.dma_semaphore, #tpu.memory_space<semaphore_mem>>) {add = true}
          %dma_wait3A_125 = arith.constant 128 : i32
          %dma_wait3A_126 = arith.constant 0 : i32
          %dma_wait3A_127 = tpu.memref_slice %arg9[%dma_wait3A_125, %dma_wait3A_126] : memref<256x128xf32, #tpu.memory_space<vmem>> -> memref<128x128xf32, #tpu.memory_space<vmem>>
          %dma_wait3A_128 = arith.constant 0 : i32
          %dma_wait3A_129 = tpu.memref_slice %arg8[%add3A_110, %dma_wait3A_128] : memref<8x128xi32, #tpu.memory_space<vmem>> -> memref<1x128xi32, #tpu.memory_space<vmem>>
          %dma_wait3A_130 = tpu.memref_squeeze %dma_wait3A_129 : memref<1x128xi32, #tpu.memory_space<vmem>> -> memref<128xi32, #tpu.memory_space<vmem>>
          %dma_wait3A_131 = arith.constant 0 : i32
          %dma_wait3A_132 = arith.constant 0 : i32
          %dma_wait3A_133 = tpu.memref_slice %arg10[%dma_wait3A_131, %dma_wait3A_132] : memref<10112x128xf32, #tpu.memory_space<vmem_shared>> -> memref<10112x128xf32, #tpu.memory_space<vmem_shared>>
          tpu.wait_indirect_dma semaphore(%run_scoped3A : memref<!tpu.dma_semaphore, #tpu.memory_space<semaphore_mem>>) src(%dma_wait3A_127 : memref<128x128xf32, #tpu.memory_space<vmem>>) dst(%dma_wait3A_133 : memref<10112x128xf32, #tpu.memory_space<vmem_shared>>)
          tpu.yield
        }) : () -> ()
        %lt3A_111 = arith.constant 3 : i32
        %lt3A_112 = arith.cmpi slt, %add3A_85, %lt3A_111 : i32
        %convert_element_type3A_113 = arith.extui %lt3A_112 : i1 to i32
        %cond3A_114 = arith.constant 0 : i32
        %cond3A_115 = arith.cmpi ne, %convert_element_type3A_113, %cond3A_114 : i32
        scf.if %cond3A_115 {
          %add3A_116 = arith.constant 3 : i32
          %add3A_117 = arith.addi %mul3A_87, %add3A_116 : i32
          %dma_start3A_118 = arith.constant 128 : i32
          %dma_start3A_119 = arith.constant 0 : i32
          %dma_start3A_120 = tpu.memref_slice %arg9[%dma_start3A_118, %dma_start3A_119] : memref<256x128xf32, #tpu.memory_space<vmem>> -> memref<128x128xf32, #tpu.memory_space<vmem>>
          %dma_start3A_121 = arith.constant 0 : i32
          %dma_start3A_122 = tpu.memref_slice %arg7[%add3A_117, %dma_start3A_121] : memref<8x128xi32, #tpu.memory_space<vmem>> -> memref<1x128xi32, #tpu.memory_space<vmem>>
          %dma_start3A_123 = tpu.memref_squeeze %dma_start3A_122 : memref<1x128xi32, #tpu.memory_space<vmem>> -> memref<128xi32, #tpu.memory_space<vmem>>
          %dma_start3A_124 = arith.constant 0 : i32
          %dma_start3A_125 = arith.constant 0 : i32
          %dma_start3A_126 = tpu.memref_slice %arg2[%dma_start3A_124, %dma_start3A_125] : memref<10000x128xf32, #tpu.memory_space<hbm>> -> memref<10000x128xf32, #tpu.memory_space<hbm>>
          tpu.enqueue_indirect_dma source(%dma_start3A_126 : memref<10000x128xf32, #tpu.memory_space<hbm>>) target(%dma_start3A_120 : memref<128x128xf32, #tpu.memory_space<vmem>>) offsets(%dma_start3A_123 : memref<128xi32, #tpu.memory_space<vmem>>) semaphore(%arg11 : memref<!tpu.dma_semaphore, #tpu.memory_space<semaphore_mem>>)
        } else {
        }
      }
      %scan3A_80 = arith.constant 4 : i32
    }
    %barrier3A_47 = arith.constant 0 : index
    tpu.barrier barrier_id(%barrier3A_47)
    %mul3A_48 = arith.constant 632 : i32
    %mul3A_49 = arith.muli %arg1, %mul3A_48 : i32
    %mul3A_50 = arith.constant 632 : i32
    %mul3A_51 = arith.muli %arg1, %mul3A_50 : i32
    "tpu.region"() ({
      %run_scoped3A = tpu.sem_alloc : memref<!tpu.dma_semaphore, #tpu.memory_space<semaphore_mem>>
      %dma_start3A = arith.constant 0 : i32
      %dma_start3A_52 = arith.constant 0 : i32
      %dma_start3A_53 = tpu.memref_slice %arg6[%arg0, %dma_start3A, %dma_start3A_52] : memref<2x10112x128xf32, #tpu.memory_space<hbm>> -> memref<1x10112x128xf32, #tpu.memory_space<hbm>>
      %dma_start3A_54 = tpu.memref_squeeze %dma_start3A_53 : memref<1x10112x128xf32, #tpu.memory_space<hbm>> -> memref<10112x128xf32, #tpu.memory_space<hbm>>
      %dma_start3A_55 = arith.constant 0 : i32
      %dma_start3A_56 = tpu.memref_slice %dma_start3A_54[%mul3A_51, %dma_start3A_55] : memref<10112x128xf32, #tpu.memory_space<hbm>> -> memref<632x128xf32, #tpu.memory_space<hbm>>
      %dma_start3A_57 = arith.constant 0 : i32
      %dma_start3A_58 = tpu.memref_slice %arg10[%mul3A_49, %dma_start3A_57] : memref<10112x128xf32, #tpu.memory_space<vmem_shared>> -> memref<632x128xf32, #tpu.memory_space<vmem_shared>>
      tpu.enqueue_dma source(%dma_start3A_58 : memref<632x128xf32, #tpu.memory_space<vmem_shared>>) target(%dma_start3A_56 : memref<632x128xf32, #tpu.memory_space<hbm>>) target_semaphore(%run_scoped3A : memref<!tpu.dma_semaphore, #tpu.memory_space<semaphore_mem>>)
      %dma_wait3A = arith.constant 0 : i32
      %dma_wait3A_59 = arith.constant 0 : i32
      %dma_wait3A_60 = tpu.memref_slice %arg6[%arg0, %dma_wait3A, %dma_wait3A_59] : memref<2x10112x128xf32, #tpu.memory_space<hbm>> -> memref<1x10112x128xf32, #tpu.memory_space<hbm>>
      %dma_wait3A_61 = tpu.memref_squeeze %dma_wait3A_60 : memref<1x10112x128xf32, #tpu.memory_space<hbm>> -> memref<10112x128xf32, #tpu.memory_space<hbm>>
      %dma_wait3A_62 = arith.constant 0 : i32
      %dma_wait3A_63 = tpu.memref_slice %dma_wait3A_61[%mul3A_51, %dma_wait3A_62] : memref<10112x128xf32, #tpu.memory_space<hbm>> -> memref<632x128xf32, #tpu.memory_space<hbm>>
      %dma_wait3A_64 = arith.constant 0 : i32
      %dma_wait3A_65 = tpu.memref_slice %arg10[%mul3A_49, %dma_wait3A_64] : memref<10112x128xf32, #tpu.memory_space<vmem_shared>> -> memref<632x128xf32, #tpu.memory_space<vmem_shared>>
      tpu.wait_dma2 semaphore(%run_scoped3A : memref<!tpu.dma_semaphore, #tpu.memory_space<semaphore_mem>>) src(%dma_wait3A_65 : memref<632x128xf32, #tpu.memory_space<vmem_shared>>) dst(%dma_wait3A_63 : memref<632x128xf32, #tpu.memory_space<hbm>>)
      tpu.yield
    }) : () -> ()
    return
  }
}

#map = affine_map<(d0, d1) -> (0, 0)>
#map1 = affine_map<(d0, d1) -> (0, 0, 0)>
module attributes {stable_mosaic.version = 14 : i64} {
  func.func @_sc_deg_body(%arg0: i32, %arg1: i32, %arg2: memref<2560x128xi32, #tpu.memory_space<hbm>>, %arg3: memref<632x128xf32, #tpu.memory_space<hbm>>, %arg4: memref<128x128xf32, #tpu.memory_space<hbm>>, %arg5: memref<2x10112x128xf32, #tpu.memory_space<hbm>>, %arg6: memref<80x128xi32, #tpu.memory_space<vmem>>, %arg7: memref<128x128xf32, #tpu.memory_space<vmem>>, %arg8: memref<10112x128xf32, #tpu.memory_space<vmem_shared>>) attributes {dimension_semantics = [#tpu.dimension_semantics<core_parallel>, #tpu.dimension_semantics<subcore_parallel>], iteration_bounds = array<i64: 2, 16>, scalar_prefetch = 0 : i64, scratch_operands = 3 : i64, tpu.core_type = #tpu.core_type<sc_vector_subcore>, window_params = [{transform_indices = #map}, {transform_indices = #map}, {transform_indices = #map}, {transform_indices = #map1}]} {
    %mul3A = arith.constant 2 : i32
    %mul3A_0 = arith.muli %arg1, %mul3A : i32
    %add3A = arith.addi %mul3A_0, %arg0 : i32
    %mul3A_1 = arith.constant 632 : i32
    %mul3A_2 = arith.muli %arg1, %mul3A_1 : i32
    "tpu.region"() ({
      %run_scoped3A = tpu.sem_alloc : memref<!tpu.dma_semaphore, #tpu.memory_space<semaphore_mem>>
      %dma_start3A = arith.constant 0 : i32
      %dma_start3A_14 = tpu.memref_slice %arg8[%mul3A_2, %dma_start3A] : memref<10112x128xf32, #tpu.memory_space<vmem_shared>> -> memref<632x128xf32, #tpu.memory_space<vmem_shared>>
      tpu.enqueue_dma source(%arg3 : memref<632x128xf32, #tpu.memory_space<hbm>>) target(%dma_start3A_14 : memref<632x128xf32, #tpu.memory_space<vmem_shared>>) target_semaphore(%run_scoped3A : memref<!tpu.dma_semaphore, #tpu.memory_space<semaphore_mem>>)
      %dma_wait3A = arith.constant 0 : i32
      %dma_wait3A_15 = tpu.memref_slice %arg8[%mul3A_2, %dma_wait3A] : memref<10112x128xf32, #tpu.memory_space<vmem_shared>> -> memref<632x128xf32, #tpu.memory_space<vmem_shared>>
      tpu.wait_dma2 semaphore(%run_scoped3A : memref<!tpu.dma_semaphore, #tpu.memory_space<semaphore_mem>>) src(%arg3 : memref<632x128xf32, #tpu.memory_space<hbm>>) dst(%dma_wait3A_15 : memref<632x128xf32, #tpu.memory_space<vmem_shared>>)
      tpu.yield
    }) : () -> ()
    "tpu.region"() ({
      %run_scoped3A = tpu.sem_alloc : memref<!tpu.dma_semaphore, #tpu.memory_space<semaphore_mem>>
      tpu.enqueue_dma source(%arg4 : memref<128x128xf32, #tpu.memory_space<hbm>>) target(%arg7 : memref<128x128xf32, #tpu.memory_space<vmem>>) target_semaphore(%run_scoped3A : memref<!tpu.dma_semaphore, #tpu.memory_space<semaphore_mem>>)
      tpu.wait_dma2 semaphore(%run_scoped3A : memref<!tpu.dma_semaphore, #tpu.memory_space<semaphore_mem>>) src(%arg4 : memref<128x128xf32, #tpu.memory_space<hbm>>) dst(%arg7 : memref<128x128xf32, #tpu.memory_space<vmem>>)
      tpu.yield
    }) : () -> ()
    %mul3A_3 = arith.constant 80 : i32
    %mul3A_4 = arith.muli %add3A, %mul3A_3 : i32
    "tpu.region"() ({
      %run_scoped3A = tpu.sem_alloc : memref<!tpu.dma_semaphore, #tpu.memory_space<semaphore_mem>>
      %dma_start3A = arith.constant 0 : i32
      %dma_start3A_14 = tpu.memref_slice %arg2[%mul3A_4, %dma_start3A] : memref<2560x128xi32, #tpu.memory_space<hbm>> -> memref<80x128xi32, #tpu.memory_space<hbm>>
      %dma_start3A_15 = arith.constant 0 : i32
      %dma_start3A_16 = tpu.memref_slice %arg2[%mul3A_4, %dma_start3A_15] : memref<2560x128xi32, #tpu.memory_space<hbm>> -> memref<80x128xi32, #tpu.memory_space<hbm>>
      tpu.enqueue_dma source(%dma_start3A_16 : memref<80x128xi32, #tpu.memory_space<hbm>>) target(%arg6 : memref<80x128xi32, #tpu.memory_space<vmem>>) target_semaphore(%run_scoped3A : memref<!tpu.dma_semaphore, #tpu.memory_space<semaphore_mem>>)
      %dma_wait3A = arith.constant 0 : i32
      %dma_wait3A_17 = tpu.memref_slice %arg2[%mul3A_4, %dma_wait3A] : memref<2560x128xi32, #tpu.memory_space<hbm>> -> memref<80x128xi32, #tpu.memory_space<hbm>>
      %dma_wait3A_18 = arith.constant 0 : i32
      %dma_wait3A_19 = tpu.memref_slice %arg2[%mul3A_4, %dma_wait3A_18] : memref<2560x128xi32, #tpu.memory_space<hbm>> -> memref<80x128xi32, #tpu.memory_space<hbm>>
      tpu.wait_dma2 semaphore(%run_scoped3A : memref<!tpu.dma_semaphore, #tpu.memory_space<semaphore_mem>>) src(%dma_wait3A_19 : memref<80x128xi32, #tpu.memory_space<hbm>>) dst(%arg6 : memref<80x128xi32, #tpu.memory_space<vmem>>)
      tpu.yield
    }) : () -> ()
    %barrier3A = arith.constant 0 : index
    tpu.barrier barrier_id(%barrier3A)
    %scan3A = arith.constant 0 : i32
    %scan3A_5 = arith.constant 80 : i32
    %scan3A_6 = arith.addi %scan3A, %scan3A_5 : i32
    %scan3A_7 = arith.constant 1 : i32
    scf.for %scan3A_14 = %scan3A to %scan3A_6 step %scan3A_7  : i32 {
      %mul3A_15 = arith.constant 1 : i32
      %mul3A_16 = arith.muli %scan3A_14, %mul3A_15 : i32
      %add3A_17 = arith.constant 0 : i32
      %add3A_18 = arith.addi %add3A_17, %mul3A_16 : i32
      "tpu.region"() ({
        %run_scoped3A = tpu.sem_alloc : memref<!tpu.dma_semaphore, #tpu.memory_space<semaphore_mem>>
        %dma_start3A = arith.constant 0 : i32
        %dma_start3A_19 = tpu.memref_slice %arg6[%add3A_18, %dma_start3A] : memref<80x128xi32, #tpu.memory_space<vmem>> -> memref<1x128xi32, #tpu.memory_space<vmem>>
        %dma_start3A_20 = tpu.memref_squeeze %dma_start3A_19 : memref<1x128xi32, #tpu.memory_space<vmem>> -> memref<128xi32, #tpu.memory_space<vmem>>
        %dma_start3A_21 = arith.constant 0 : i32
        %dma_start3A_22 = arith.constant 0 : i32
        %dma_start3A_23 = tpu.memref_slice %arg8[%dma_start3A_21, %dma_start3A_22] : memref<10112x128xf32, #tpu.memory_space<vmem_shared>> -> memref<10112x128xf32, #tpu.memory_space<vmem_shared>>
        tpu.enqueue_indirect_dma source(%arg7 : memref<128x128xf32, #tpu.memory_space<vmem>>) target(%dma_start3A_23 : memref<10112x128xf32, #tpu.memory_space<vmem_shared>>) offsets(%dma_start3A_20 : memref<128xi32, #tpu.memory_space<vmem>>) semaphore(%run_scoped3A : memref<!tpu.dma_semaphore, #tpu.memory_space<semaphore_mem>>) {add = true}
        %dma_wait3A = arith.constant 0 : i32
        %dma_wait3A_24 = tpu.memref_slice %arg6[%add3A_18, %dma_wait3A] : memref<80x128xi32, #tpu.memory_space<vmem>> -> memref<1x128xi32, #tpu.memory_space<vmem>>
        %dma_wait3A_25 = tpu.memref_squeeze %dma_wait3A_24 : memref<1x128xi32, #tpu.memory_space<vmem>> -> memref<128xi32, #tpu.memory_space<vmem>>
        %dma_wait3A_26 = arith.constant 0 : i32
        %dma_wait3A_27 = arith.constant 0 : i32
        %dma_wait3A_28 = tpu.memref_slice %arg8[%dma_wait3A_26, %dma_wait3A_27] : memref<10112x128xf32, #tpu.memory_space<vmem_shared>> -> memref<10112x128xf32, #tpu.memory_space<vmem_shared>>
        tpu.wait_indirect_dma semaphore(%run_scoped3A : memref<!tpu.dma_semaphore, #tpu.memory_space<semaphore_mem>>) src(%arg7 : memref<128x128xf32, #tpu.memory_space<vmem>>) dst(%dma_wait3A_28 : memref<10112x128xf32, #tpu.memory_space<vmem_shared>>)
        tpu.yield
      }) : () -> ()
    }
    %scan3A_8 = arith.constant 80 : i32
    %barrier3A_9 = arith.constant 0 : index
    tpu.barrier barrier_id(%barrier3A_9)
    %mul3A_10 = arith.constant 632 : i32
    %mul3A_11 = arith.muli %arg1, %mul3A_10 : i32
    %mul3A_12 = arith.constant 632 : i32
    %mul3A_13 = arith.muli %arg1, %mul3A_12 : i32
    "tpu.region"() ({
      %run_scoped3A = tpu.sem_alloc : memref<!tpu.dma_semaphore, #tpu.memory_space<semaphore_mem>>
      %dma_start3A = arith.constant 0 : i32
      %dma_start3A_14 = arith.constant 0 : i32
      %dma_start3A_15 = tpu.memref_slice %arg5[%arg0, %dma_start3A, %dma_start3A_14] : memref<2x10112x128xf32, #tpu.memory_space<hbm>> -> memref<1x10112x128xf32, #tpu.memory_space<hbm>>
      %dma_start3A_16 = tpu.memref_squeeze %dma_start3A_15 : memref<1x10112x128xf32, #tpu.memory_space<hbm>> -> memref<10112x128xf32, #tpu.memory_space<hbm>>
      %dma_start3A_17 = arith.constant 0 : i32
      %dma_start3A_18 = tpu.memref_slice %dma_start3A_16[%mul3A_13, %dma_start3A_17] : memref<10112x128xf32, #tpu.memory_space<hbm>> -> memref<632x128xf32, #tpu.memory_space<hbm>>
      %dma_start3A_19 = arith.constant 0 : i32
      %dma_start3A_20 = tpu.memref_slice %arg8[%mul3A_11, %dma_start3A_19] : memref<10112x128xf32, #tpu.memory_space<vmem_shared>> -> memref<632x128xf32, #tpu.memory_space<vmem_shared>>
      tpu.enqueue_dma source(%dma_start3A_20 : memref<632x128xf32, #tpu.memory_space<vmem_shared>>) target(%dma_start3A_18 : memref<632x128xf32, #tpu.memory_space<hbm>>) target_semaphore(%run_scoped3A : memref<!tpu.dma_semaphore, #tpu.memory_space<semaphore_mem>>)
      %dma_wait3A = arith.constant 0 : i32
      %dma_wait3A_21 = arith.constant 0 : i32
      %dma_wait3A_22 = tpu.memref_slice %arg5[%arg0, %dma_wait3A, %dma_wait3A_21] : memref<2x10112x128xf32, #tpu.memory_space<hbm>> -> memref<1x10112x128xf32, #tpu.memory_space<hbm>>
      %dma_wait3A_23 = tpu.memref_squeeze %dma_wait3A_22 : memref<1x10112x128xf32, #tpu.memory_space<hbm>> -> memref<10112x128xf32, #tpu.memory_space<hbm>>
      %dma_wait3A_24 = arith.constant 0 : i32
      %dma_wait3A_25 = tpu.memref_slice %dma_wait3A_23[%mul3A_13, %dma_wait3A_24] : memref<10112x128xf32, #tpu.memory_space<hbm>> -> memref<632x128xf32, #tpu.memory_space<hbm>>
      %dma_wait3A_26 = arith.constant 0 : i32
      %dma_wait3A_27 = tpu.memref_slice %arg8[%mul3A_11, %dma_wait3A_26] : memref<10112x128xf32, #tpu.memory_space<vmem_shared>> -> memref<632x128xf32, #tpu.memory_space<vmem_shared>>
      tpu.wait_dma2 semaphore(%run_scoped3A : memref<!tpu.dma_semaphore, #tpu.memory_space<semaphore_mem>>) src(%dma_wait3A_27 : memref<632x128xf32, #tpu.memory_space<vmem_shared>>) dst(%dma_wait3A_25 : memref<632x128xf32, #tpu.memory_space<hbm>>)
      tpu.yield
    }) : () -> ()
    return
  }
}

module attributes {stable_mosaic.version = 14 : i64} {
  func.func @_tc_pre_body(%arg0: i32, %arg1: memref<1000x128xf32, #tpu.memory_space<vmem>>, %arg2: memref<128x128xf32, #tpu.memory_space<vmem>>, %arg3: memref<128x128xf32, #tpu.memory_space<vmem>>, %arg4: memref<1x128xf32, #tpu.memory_space<vmem>>, %arg5: memref<1000x128xf32, #tpu.memory_space<vmem>>, %arg6: memref<1000x128xf32, #tpu.memory_space<vmem>>) attributes {dimension_semantics = [#tpu.dimension_semantics<arbitrary>], iteration_bounds = array<i64: 10>, scalar_prefetch = 0 : i64, scratch_operands = 0 : i64, tpu.core_type = #tpu.core_type<tc>, window_params = [{transform_indices = @transform_0, window_bounds = array<i64: 1000, 128>}, {pipeline_mode = #tpu.pipeline_mode<synchronous>, transform_indices = @transform_1, window_bounds = array<i64: 128, 128>}, {pipeline_mode = #tpu.pipeline_mode<synchronous>, transform_indices = @transform_2, window_bounds = array<i64: 128, 128>}, {pipeline_mode = #tpu.pipeline_mode<synchronous>, transform_indices = @transform_3, window_bounds = array<i64: 1, 128>}, {transform_indices = @transform_4, window_bounds = array<i64: 1000, 128>}, {transform_indices = @transform_5, window_bounds = array<i64: 1000, 128>}]} {
    %get3A = arith.constant 0 : index
    %get3A_0 = arith.constant 0 : index
    %get3A_1 = vector.load %arg1[%get3A, %get3A_0] : memref<1000x128xf32, #tpu.memory_space<vmem>>, vector<1000x128xf32>
    %get3A_2 = arith.constant 0 : index
    %get3A_3 = arith.constant 0 : index
    %get3A_4 = vector.load %arg2[%get3A_2, %get3A_3] : memref<128x128xf32, #tpu.memory_space<vmem>>, vector<128x128xf32>
    %dot_general3A = arith.constant dense<0.000000e+00> : vector<1000x128xf32>
    %dot_general3A_5 = tpu.matmul %get3A_1, %get3A_4, %dot_general3A {dimension_numbers = #tpu.dot_dimension_numbers<[1], [0], [0], [1], [0, 0, 1, 1], [], []>, transpose_lhs_hint = false} : vector<1000x128xf32>, vector<128x128xf32>, vector<1000x128xf32> -> vector<1000x128xf32>
    %swap3A = arith.constant 0 : index
    %swap3A_6 = arith.constant 0 : index
    %swap3A_7 = vector.load %arg5[%swap3A, %swap3A_6] : memref<1000x128xf32, #tpu.memory_space<vmem>>, vector<1000x128xf32>
    tpu.vector_store %arg5[%swap3A, %swap3A_6], %dot_general3A_5 {strides = array<i32>} : memref<1000x128xf32, #tpu.memory_space<vmem>>, vector<1000x128xf32>,
    %get3A_8 = arith.constant 0 : index
    %get3A_9 = arith.constant 0 : index
    %get3A_10 = vector.load %arg3[%get3A_8, %get3A_9] : memref<128x128xf32, #tpu.memory_space<vmem>>, vector<128x128xf32>
    %dot_general3A_11 = arith.constant dense<0.000000e+00> : vector<1000x128xf32>
    %dot_general3A_12 = tpu.matmul %get3A_1, %get3A_10, %dot_general3A_11 {dimension_numbers = #tpu.dot_dimension_numbers<[1], [0], [0], [1], [0, 0, 1, 1], [], []>, transpose_lhs_hint = false} : vector<1000x128xf32>, vector<128x128xf32>, vector<1000x128xf32> -> vector<1000x128xf32>
    %get3A_13 = arith.constant 0 : index
    %get3A_14 = arith.constant 0 : index
    %get3A_15 = vector.load %arg4[%get3A_13, %get3A_14] : memref<1x128xf32, #tpu.memory_space<vmem>>, vector<1x128xf32>
    %add3A = vector.broadcast %get3A_15 : vector<1x128xf32> to vector<1000x128xf32>
    %add3A_16 = arith.addf %dot_general3A_12, %add3A : vector<1000x128xf32>
    %swap3A_17 = arith.constant 0 : index
    %swap3A_18 = arith.constant 0 : index
    %swap3A_19 = vector.load %arg6[%swap3A_17, %swap3A_18] : memref<1000x128xf32, #tpu.memory_space<vmem>>, vector<1000x128xf32>
    tpu.vector_store %arg6[%swap3A_17, %swap3A_18], %add3A_16 {strides = array<i32>} : memref<1000x128xf32, #tpu.memory_space<vmem>>, vector<1000x128xf32>,
    return
  }
  func.func @transform_0(%arg0: i32) -> (i32, i32) {
    %c0_i32 = arith.constant 0 : i32
    %c0_i32_0 = arith.constant 0 : i32
    return %arg0, %c0_i32 : i32, i32
  }
  func.func @transform_1(%arg0: i32) -> (i32, i32) {
    %c0_i32 = arith.constant 0 : i32
    %c0_i32_0 = arith.constant 0 : i32
    %c0_i32_1 = arith.constant 0 : i32
    return %c0_i32, %c0_i32_0 : i32, i32
  }
  func.func @transform_2(%arg0: i32) -> (i32, i32) {
    %c0_i32 = arith.constant 0 : i32
    %c0_i32_0 = arith.constant 0 : i32
    %c0_i32_1 = arith.constant 0 : i32
    return %c0_i32, %c0_i32_0 : i32, i32
  }
  func.func @transform_3(%arg0: i32) -> (i32, i32) {
    %c0_i32 = arith.constant 0 : i32
    %c0_i32_0 = arith.constant 0 : i32
    %c0_i32_1 = arith.constant 0 : i32
    return %c0_i32, %c0_i32_0 : i32, i32
  }
  func.func @transform_4(%arg0: i32) -> (i32, i32) {
    %c0_i32 = arith.constant 0 : i32
    %c0_i32_0 = arith.constant 0 : i32
    return %arg0, %c0_i32 : i32, i32
  }
  func.func @transform_5(%arg0: i32) -> (i32, i32) {
    %c0_i32 = arith.constant 0 : i32
    %c0_i32_0 = arith.constant 0 : i32
    return %arg0, %c0_i32 : i32, i32
  }
}

module attributes {stable_mosaic.version = 14 : i64} {
  func.func @_tc_mid_body(%arg0: i32, %arg1: memref<1000x128xf32, #tpu.memory_space<vmem>>, %arg2: memref<1000x128xf32, #tpu.memory_space<vmem>>, %arg3: memref<1000x128xf32, #tpu.memory_space<vmem>>, %arg4: memref<1000x128xf32, #tpu.memory_space<vmem>>, %arg5: memref<1000x128xf32, #tpu.memory_space<vmem>>, %arg6: memref<128x128xf32, #tpu.memory_space<vmem>>, %arg7: memref<128x128xf32, #tpu.memory_space<vmem>>, %arg8: memref<1x128xf32, #tpu.memory_space<vmem>>, %arg9: memref<1000x128xf32, #tpu.memory_space<vmem>>, %arg10: memref<1000x128xf32, #tpu.memory_space<vmem>>) attributes {dimension_semantics = [#tpu.dimension_semantics<arbitrary>], iteration_bounds = array<i64: 10>, scalar_prefetch = 0 : i64, scratch_operands = 0 : i64, tpu.core_type = #tpu.core_type<tc>, window_params = [{transform_indices = @transform_0, window_bounds = array<i64: 1000, 128>}, {transform_indices = @transform_1, window_bounds = array<i64: 1000, 128>}, {transform_indices = @transform_2, window_bounds = array<i64: 1000, 128>}, {transform_indices = @transform_3, window_bounds = array<i64: 1000, 128>}, {transform_indices = @transform_4, window_bounds = array<i64: 1000, 128>}, {pipeline_mode = #tpu.pipeline_mode<synchronous>, transform_indices = @transform_5, window_bounds = array<i64: 128, 128>}, {pipeline_mode = #tpu.pipeline_mode<synchronous>, transform_indices = @transform_6, window_bounds = array<i64: 128, 128>}, {pipeline_mode = #tpu.pipeline_mode<synchronous>, transform_indices = @transform_7, window_bounds = array<i64: 1, 128>}, {transform_indices = @transform_8, window_bounds = array<i64: 1000, 128>}, {transform_indices = @transform_9, window_bounds = array<i64: 1000, 128>}]} {
    %get3A = arith.constant 0 : index
    %get3A_0 = arith.constant 0 : index
    %get3A_1 = vector.load %arg3[%get3A, %get3A_0] : memref<1000x128xf32, #tpu.memory_space<vmem>>, vector<1000x128xf32>
    %slice3A = vector.extract_strided_slice %get3A_1 {offsets = [0, 0], sizes = [1000, 1], strides = [1, 1]} : vector<1000x128xf32> to vector<1000x1xf32>
    %get3A_2 = arith.constant 0 : index
    %get3A_3 = arith.constant 0 : index
    %get3A_4 = vector.load %arg4[%get3A_2, %get3A_3] : memref<1000x128xf32, #tpu.memory_space<vmem>>, vector<1000x128xf32>
    %slice3A_5 = vector.extract_strided_slice %get3A_4 {offsets = [0, 0], sizes = [1000, 1], strides = [1, 1]} : vector<1000x128xf32> to vector<1000x1xf32>
    %add3A = arith.addf %slice3A, %slice3A_5 : vector<1000x1xf32>
    %max3A = arith.constant 1.000000e+00 : f32
    %max3A_6 = vector.broadcast %max3A : f32 to vector<1000x1xf32>
    %max3A_7 = arith.maximumf %add3A, %max3A_6 : vector<1000x1xf32>
    %get3A_8 = arith.constant 0 : index
    %get3A_9 = arith.constant 0 : index
    %get3A_10 = vector.load %arg1[%get3A_8, %get3A_9] : memref<1000x128xf32, #tpu.memory_space<vmem>>, vector<1000x128xf32>
    %get3A_11 = arith.constant 0 : index
    %get3A_12 = arith.constant 0 : index
    %get3A_13 = vector.load %arg2[%get3A_11, %get3A_12] : memref<1000x128xf32, #tpu.memory_space<vmem>>, vector<1000x128xf32>
    %add3A_14 = arith.addf %get3A_10, %get3A_13 : vector<1000x128xf32>
    %div3A = vector.broadcast %max3A_7 : vector<1000x1xf32> to vector<1000x128xf32>
    %div3A_15 = arith.divf %add3A_14, %div3A : vector<1000x128xf32>
    %get3A_16 = arith.constant 0 : index
    %get3A_17 = arith.constant 0 : index
    %get3A_18 = vector.load %arg5[%get3A_16, %get3A_17] : memref<1000x128xf32, #tpu.memory_space<vmem>>, vector<1000x128xf32>
    %add3A_19 = arith.addf %div3A_15, %get3A_18 : vector<1000x128xf32>
    %gt3A = arith.constant 0.000000e+00 : f32
    %gt3A_20 = vector.broadcast %gt3A : f32 to vector<1000x128xf32>
    %gt3A_21 = arith.cmpf ogt, %add3A_19, %gt3A_20 : vector<1000x128xf32>
    %gt3A_22 = arith.constant 0.000000e+00 : f32
    %gt3A_23 = vector.broadcast %gt3A_22 : f32 to vector<1000x128xf32>
    %gt3A_24 = arith.cmpf ogt, %add3A_19, %gt3A_23 : vector<1000x128xf32>
    %jit3A = arith.constant 0.000000e+00 : f32
    %broadcast_in_dim3A = vector.broadcast %jit3A : f32 to vector<1000x128xf32>
    %select_n3A = arith.select %gt3A_24, %broadcast_in_dim3A, %add3A_19 : vector<1000x128xi1>, vector<1000x128xf32>
    %exp3A = math.exp %select_n3A : vector<1000x128xf32>
    %sub3A = arith.constant 1.000000e+00 : f32
    %sub3A_25 = vector.broadcast %sub3A : f32 to vector<1000x128xf32>
    %sub3A_26 = arith.subf %exp3A, %sub3A_25 : vector<1000x128xf32>
    %select_n3A_27 = arith.select %gt3A_21, %add3A_19, %sub3A_26 : vector<1000x128xi1>, vector<1000x128xf32>
    %get3A_28 = arith.constant 0 : index
    %get3A_29 = arith.constant 0 : index
    %get3A_30 = vector.load %arg6[%get3A_28, %get3A_29] : memref<128x128xf32, #tpu.memory_space<vmem>>, vector<128x128xf32>
    %dot_general3A = arith.constant dense<0.000000e+00> : vector<1000x128xf32>
    %dot_general3A_31 = tpu.matmul %select_n3A_27, %get3A_30, %dot_general3A {dimension_numbers = #tpu.dot_dimension_numbers<[1], [0], [0], [1], [0, 0, 1, 1], [], []>, transpose_lhs_hint = false} : vector<1000x128xf32>, vector<128x128xf32>, vector<1000x128xf32> -> vector<1000x128xf32>
    %swap3A = arith.constant 0 : index
    %swap3A_32 = arith.constant 0 : index
    %swap3A_33 = vector.load %arg9[%swap3A, %swap3A_32] : memref<1000x128xf32, #tpu.memory_space<vmem>>, vector<1000x128xf32>
    tpu.vector_store %arg9[%swap3A, %swap3A_32], %dot_general3A_31 {strides = array<i32>} : memref<1000x128xf32, #tpu.memory_space<vmem>>, vector<1000x128xf32>,
    %get3A_34 = arith.constant 0 : index
    %get3A_35 = arith.constant 0 : index
    %get3A_36 = vector.load %arg7[%get3A_34, %get3A_35] : memref<128x128xf32, #tpu.memory_space<vmem>>, vector<128x128xf32>
    %dot_general3A_37 = arith.constant dense<0.000000e+00> : vector<1000x128xf32>
    %dot_general3A_38 = tpu.matmul %select_n3A_27, %get3A_36, %dot_general3A_37 {dimension_numbers = #tpu.dot_dimension_numbers<[1], [0], [0], [1], [0, 0, 1, 1], [], []>, transpose_lhs_hint = false} : vector<1000x128xf32>, vector<128x128xf32>, vector<1000x128xf32> -> vector<1000x128xf32>
    %get3A_39 = arith.constant 0 : index
    %get3A_40 = arith.constant 0 : index
    %get3A_41 = vector.load %arg8[%get3A_39, %get3A_40] : memref<1x128xf32, #tpu.memory_space<vmem>>, vector<1x128xf32>
    %add3A_42 = vector.broadcast %get3A_41 : vector<1x128xf32> to vector<1000x128xf32>
    %add3A_43 = arith.addf %dot_general3A_38, %add3A_42 : vector<1000x128xf32>
    %swap3A_44 = arith.constant 0 : index
    %swap3A_45 = arith.constant 0 : index
    %swap3A_46 = vector.load %arg10[%swap3A_44, %swap3A_45] : memref<1000x128xf32, #tpu.memory_space<vmem>>, vector<1000x128xf32>
    tpu.vector_store %arg10[%swap3A_44, %swap3A_45], %add3A_43 {strides = array<i32>} : memref<1000x128xf32, #tpu.memory_space<vmem>>, vector<1000x128xf32>,
    return
  }
  func.func @transform_0(%arg0: i32) -> (i32, i32) {
    %c0_i32 = arith.constant 0 : i32
    %c0_i32_0 = arith.constant 0 : i32
    return %arg0, %c0_i32 : i32, i32
  }
  func.func @transform_1(%arg0: i32) -> (i32, i32) {
    %c0_i32 = arith.constant 0 : i32
    %c0_i32_0 = arith.constant 0 : i32
    return %arg0, %c0_i32 : i32, i32
  }
  func.func @transform_2(%arg0: i32) -> (i32, i32) {
    %c0_i32 = arith.constant 0 : i32
    %c0_i32_0 = arith.constant 0 : i32
    return %arg0, %c0_i32 : i32, i32
  }
  func.func @transform_3(%arg0: i32) -> (i32, i32) {
    %c0_i32 = arith.constant 0 : i32
    %c0_i32_0 = arith.constant 0 : i32
    return %arg0, %c0_i32 : i32, i32
  }
  func.func @transform_4(%arg0: i32) -> (i32, i32) {
    %c0_i32 = arith.constant 0 : i32
    %c0_i32_0 = arith.constant 0 : i32
    return %arg0, %c0_i32 : i32, i32
  }
  func.func @transform_5(%arg0: i32) -> (i32, i32) {
    %c0_i32 = arith.constant 0 : i32
    %c0_i32_0 = arith.constant 0 : i32
    %c0_i32_1 = arith.constant 0 : i32
    return %c0_i32, %c0_i32_0 : i32, i32
  }
  func.func @transform_6(%arg0: i32) -> (i32, i32) {
    %c0_i32 = arith.constant 0 : i32
    %c0_i32_0 = arith.constant 0 : i32
    %c0_i32_1 = arith.constant 0 : i32
    return %c0_i32, %c0_i32_0 : i32, i32
  }
  func.func @transform_7(%arg0: i32) -> (i32, i32) {
    %c0_i32 = arith.constant 0 : i32
    %c0_i32_0 = arith.constant 0 : i32
    %c0_i32_1 = arith.constant 0 : i32
    return %c0_i32, %c0_i32_0 : i32, i32
  }
  func.func @transform_8(%arg0: i32) -> (i32, i32) {
    %c0_i32 = arith.constant 0 : i32
    %c0_i32_0 = arith.constant 0 : i32
    return %arg0, %c0_i32 : i32, i32
  }
  func.func @transform_9(%arg0: i32) -> (i32, i32) {
    %c0_i32 = arith.constant 0 : i32
    %c0_i32_0 = arith.constant 0 : i32
    return %arg0, %c0_i32 : i32, i32
  }
}

module attributes {stable_mosaic.version = 14 : i64} {
  func.func @_tc_fin_body(%arg0: i32, %arg1: memref<1000x128xf32, #tpu.memory_space<vmem>>, %arg2: memref<1000x128xf32, #tpu.memory_space<vmem>>, %arg3: memref<1000x128xf32, #tpu.memory_space<vmem>>, %arg4: memref<1000x128xf32, #tpu.memory_space<vmem>>, %arg5: memref<1000x128xf32, #tpu.memory_space<vmem>>, %arg6: memref<1x1x1000xf32, #tpu.memory_space<vmem>>, %arg7: memref<1000x1xf32, #tpu.memory_space<vmem>>, %arg8: memref<128x1xf32, #tpu.memory_space<vmem>>, %arg9: memref<1x1xf32, #tpu.memory_space<vmem>>, %arg10: memref<64x1xf32, #tpu.memory_space<vmem>>, %arg11: memref<64x128xf32, #tpu.memory_space<vmem>>, %arg12: memref<64x1xf32, #tpu.memory_space<vmem>>) attributes {dimension_semantics = [#tpu.dimension_semantics<arbitrary>], iteration_bounds = array<i64: 10>, scalar_prefetch = 0 : i64, scratch_operands = 2 : i64, tpu.core_type = #tpu.core_type<tc>, window_params = [{transform_indices = @transform_0, window_bounds = array<i64: 1000, 128>}, {transform_indices = @transform_1, window_bounds = array<i64: 1000, 128>}, {transform_indices = @transform_2, window_bounds = array<i64: 1000, 128>}, {transform_indices = @transform_3, window_bounds = array<i64: 1000, 128>}, {transform_indices = @transform_4, window_bounds = array<i64: 1000, 128>}, {transform_indices = @transform_5, window_bounds = array<i64: 1, 1, 1000>}, {transform_indices = @transform_6, window_bounds = array<i64: 1000, 1>}, {pipeline_mode = #tpu.pipeline_mode<synchronous>, transform_indices = @transform_7, window_bounds = array<i64: 128, 1>}, {pipeline_mode = #tpu.pipeline_mode<synchronous>, transform_indices = @transform_8, window_bounds = array<i64: 1, 1>}, {pipeline_mode = #tpu.pipeline_mode<synchronous>, transform_indices = @transform_9, window_bounds = array<i64: 64, 1>}]} {
    %eq3A = arith.constant 0 : i32
    %eq3A_0 = arith.cmpi eq, %arg0, %eq3A : i32
    %convert_element_type3A = arith.extui %eq3A_0 : i1 to i32
    %cond3A = arith.constant 0 : i32
    %cond3A_1 = arith.cmpi ne, %convert_element_type3A, %cond3A : i32
    scf.if %cond3A_1 {
      %broadcast_in_dim3A_67 = arith.constant 0.000000e+00 : f32
      %broadcast_in_dim3A_68 = vector.broadcast %broadcast_in_dim3A_67 : f32 to vector<64x128xf32>
      %swap3A_69 = arith.constant 0 : index
      %swap3A_70 = arith.constant 0 : index
      %swap3A_71 = vector.load %arg11[%swap3A_69, %swap3A_70] : memref<64x128xf32, #tpu.memory_space<vmem>>, vector<64x128xf32>
      tpu.vector_store %arg11[%swap3A_69, %swap3A_70], %broadcast_in_dim3A_68 {strides = array<i32>} : memref<64x128xf32, #tpu.memory_space<vmem>>, vector<64x128xf32>,
      %broadcast_in_dim3A_72 = arith.constant 0.000000e+00 : f32
      %broadcast_in_dim3A_73 = vector.broadcast %broadcast_in_dim3A_72 : f32 to vector<64x1xf32>
      %swap3A_74 = arith.constant 0 : index
      %swap3A_75 = arith.constant 0 : index
      %swap3A_76 = vector.load %arg12[%swap3A_74, %swap3A_75] : memref<64x1xf32, #tpu.memory_space<vmem>>, vector<64x1xf32>
      tpu.vector_store %arg12[%swap3A_74, %swap3A_75], %broadcast_in_dim3A_73 {strides = array<i32>} : memref<64x1xf32, #tpu.memory_space<vmem>>, vector<64x1xf32>,
    } else {
    }
    %get3A = arith.constant 0 : index
    %get3A_2 = arith.constant 0 : index
    %get3A_3 = vector.load %arg3[%get3A, %get3A_2] : memref<1000x128xf32, #tpu.memory_space<vmem>>, vector<1000x128xf32>
    %slice3A = vector.extract_strided_slice %get3A_3 {offsets = [0, 0], sizes = [1000, 1], strides = [1, 1]} : vector<1000x128xf32> to vector<1000x1xf32>
    %get3A_4 = arith.constant 0 : index
    %get3A_5 = arith.constant 0 : index
    %get3A_6 = vector.load %arg4[%get3A_4, %get3A_5] : memref<1000x128xf32, #tpu.memory_space<vmem>>, vector<1000x128xf32>
    %slice3A_7 = vector.extract_strided_slice %get3A_6 {offsets = [0, 0], sizes = [1000, 1], strides = [1, 1]} : vector<1000x128xf32> to vector<1000x1xf32>
    %add3A = arith.addf %slice3A, %slice3A_7 : vector<1000x1xf32>
    %max3A = arith.constant 1.000000e+00 : f32
    %max3A_8 = vector.broadcast %max3A : f32 to vector<1000x1xf32>
    %max3A_9 = arith.maximumf %add3A, %max3A_8 : vector<1000x1xf32>
    %get3A_10 = arith.constant 0 : index
    %get3A_11 = arith.constant 0 : index
    %get3A_12 = vector.load %arg1[%get3A_10, %get3A_11] : memref<1000x128xf32, #tpu.memory_space<vmem>>, vector<1000x128xf32>
    %get3A_13 = arith.constant 0 : index
    %get3A_14 = arith.constant 0 : index
    %get3A_15 = vector.load %arg2[%get3A_13, %get3A_14] : memref<1000x128xf32, #tpu.memory_space<vmem>>, vector<1000x128xf32>
    %add3A_16 = arith.addf %get3A_12, %get3A_15 : vector<1000x128xf32>
    %div3A = vector.broadcast %max3A_9 : vector<1000x1xf32> to vector<1000x128xf32>
    %div3A_17 = arith.divf %add3A_16, %div3A : vector<1000x128xf32>
    %get3A_18 = arith.constant 0 : index
    %get3A_19 = arith.constant 0 : index
    %get3A_20 = vector.load %arg5[%get3A_18, %get3A_19] : memref<1000x128xf32, #tpu.memory_space<vmem>>, vector<1000x128xf32>
    %add3A_21 = arith.addf %div3A_17, %get3A_20 : vector<1000x128xf32>
    %gt3A = arith.constant 0.000000e+00 : f32
    %gt3A_22 = vector.broadcast %gt3A : f32 to vector<1000x128xf32>
    %gt3A_23 = arith.cmpf ogt, %add3A_21, %gt3A_22 : vector<1000x128xf32>
    %gt3A_24 = arith.constant 0.000000e+00 : f32
    %gt3A_25 = vector.broadcast %gt3A_24 : f32 to vector<1000x128xf32>
    %gt3A_26 = arith.cmpf ogt, %add3A_21, %gt3A_25 : vector<1000x128xf32>
    %jit3A = arith.constant 0.000000e+00 : f32
    %broadcast_in_dim3A = vector.broadcast %jit3A : f32 to vector<1000x128xf32>
    %select_n3A = arith.select %gt3A_26, %broadcast_in_dim3A, %add3A_21 : vector<1000x128xi1>, vector<1000x128xf32>
    %exp3A = math.exp %select_n3A : vector<1000x128xf32>
    %sub3A = arith.constant 1.000000e+00 : f32
    %sub3A_27 = vector.broadcast %sub3A : f32 to vector<1000x128xf32>
    %sub3A_28 = arith.subf %exp3A, %sub3A_27 : vector<1000x128xf32>
    %select_n3A_29 = arith.select %gt3A_23, %add3A_21, %sub3A_28 : vector<1000x128xi1>, vector<1000x128xf32>
    %get3A_30 = arith.constant 0 : index
    %get3A_31 = arith.constant 0 : index
    %get3A_32 = vector.load %arg7[%get3A_30, %get3A_31] : memref<1000x1xf32, #tpu.memory_space<vmem>>, vector<1000x1xf32>
    %mul3A = vector.broadcast %get3A_32 : vector<1000x1xf32> to vector<1000x128xf32>
    %mul3A_33 = arith.mulf %select_n3A_29, %mul3A : vector<1000x128xf32>
    %get3A_34 = arith.constant 0 : index
    %get3A_35 = arith.constant 0 : index
    %get3A_36 = arith.constant 0 : index
    %get3A_37 = vector.load %arg6[%get3A_34, %get3A_35, %get3A_36] : memref<1x1x1000xf32, #tpu.memory_space<vmem>>, vector<1x1x1000xf32>
    %get3A_38 = vector.shape_cast %get3A_37 : vector<1x1x1000xf32> to vector<1x1000xf32>
    %iota3A = tpu.iota {dimensions = array<i32: 0>} : vector<64x1000xi32>
    %convert_element_type3A_39 = arith.sitofp %iota3A : vector<64x1000xi32> to vector<64x1000xf32>
    %sub3A_40 = vector.broadcast %get3A_38 : vector<1x1000xf32> to vector<64x1000xf32>
    %sub3A_41 = arith.subf %convert_element_type3A_39, %sub3A_40 : vector<64x1000xf32>
    %abs3A = math.absf %sub3A_41 : vector<64x1000xf32>
    %lt3A = arith.constant 5.000000e-01 : f32
    %lt3A_42 = vector.broadcast %lt3A : f32 to vector<64x1000xf32>
    %lt3A_43 = arith.cmpf olt, %abs3A, %lt3A_42 : vector<64x1000xf32>
    %convert_element_type3A_44 = arith.extui %lt3A_43 : vector<64x1000xi1> to vector<64x1000xi32>
    %convert_element_type3A_45 = arith.sitofp %convert_element_type3A_44 : vector<64x1000xi32> to vector<64x1000xf32>
    %get3A_46 = arith.constant 0 : index
    %get3A_47 = arith.constant 0 : index
    %get3A_48 = vector.load %arg11[%get3A_46, %get3A_47] : memref<64x128xf32, #tpu.memory_space<vmem>>, vector<64x128xf32>
    %dot_general3A = arith.constant dense<0.000000e+00> : vector<64x128xf32>
    %dot_general3A_49 = tpu.matmul %convert_element_type3A_45, %mul3A_33, %dot_general3A {dimension_numbers = #tpu.dot_dimension_numbers<[1], [0], [0], [1], [0, 0, 1, 1], [], []>, transpose_lhs_hint = false} : vector<64x1000xf32>, vector<1000x128xf32>, vector<64x128xf32> -> vector<64x128xf32>
    %add3A_50 = arith.addf %get3A_48, %dot_general3A_49 : vector<64x128xf32>
    %swap3A = arith.constant 0 : index
    %swap3A_51 = arith.constant 0 : index
    %swap3A_52 = vector.load %arg11[%swap3A, %swap3A_51] : memref<64x128xf32, #tpu.memory_space<vmem>>, vector<64x128xf32>
    tpu.vector_store %arg11[%swap3A, %swap3A_51], %add3A_50 {strides = array<i32>} : memref<64x128xf32, #tpu.memory_space<vmem>>, vector<64x128xf32>,
    %get3A_53 = arith.constant 0 : index
    %get3A_54 = arith.constant 0 : index
    %get3A_55 = vector.load %arg12[%get3A_53, %get3A_54] : memref<64x1xf32, #tpu.memory_space<vmem>>, vector<64x1xf32>
    %dot_general3A_56 = arith.constant dense<0.000000e+00> : vector<64x1xf32>
    %dot_general3A_57 = tpu.matmul %convert_element_type3A_45, %get3A_32, %dot_general3A_56 {dimension_numbers = #tpu.dot_dimension_numbers<[1], [0], [0], [1], [0, 0, 1, 1], [], []>, transpose_lhs_hint = false} : vector<64x1000xf32>, vector<1000x1xf32>, vector<64x1xf32> -> vector<64x1xf32>
    %add3A_58 = arith.addf %get3A_55, %dot_general3A_57 : vector<64x1xf32>
    %swap3A_59 = arith.constant 0 : index
    %swap3A_60 = arith.constant 0 : index
    %swap3A_61 = vector.load %arg12[%swap3A_59, %swap3A_60] : memref<64x1xf32, #tpu.memory_space<vmem>>, vector<64x1xf32>
    tpu.vector_store %arg12[%swap3A_59, %swap3A_60], %add3A_58 {strides = array<i32>} : memref<64x1xf32, #tpu.memory_space<vmem>>, vector<64x1xf32>,
    %eq3A_62 = arith.constant 9 : i32
    %eq3A_63 = arith.cmpi eq, %arg0, %eq3A_62 : i32
    %convert_element_type3A_64 = arith.extui %eq3A_63 : i1 to i32
    %cond3A_65 = arith.constant 0 : i32
    %cond3A_66 = arith.cmpi ne, %convert_element_type3A_64, %cond3A_65 : i32
    scf.if %cond3A_66 {
      %get3A_67 = arith.constant 0 : index
      %get3A_68 = arith.constant 0 : index
      %get3A_69 = vector.load %arg11[%get3A_67, %get3A_68] : memref<64x128xf32, #tpu.memory_space<vmem>>, vector<64x128xf32>
      %get3A_70 = arith.constant 0 : index
      %get3A_71 = arith.constant 0 : index
      %get3A_72 = vector.load %arg12[%get3A_70, %get3A_71] : memref<64x1xf32, #tpu.memory_space<vmem>>, vector<64x1xf32>
      %max3A_73 = arith.constant 1.000000e+00 : f32
      %max3A_74 = vector.broadcast %max3A_73 : f32 to vector<64x1xf32>
      %max3A_75 = arith.maximumf %get3A_72, %max3A_74 : vector<64x1xf32>
      %div3A_76 = vector.broadcast %max3A_75 : vector<64x1xf32> to vector<64x128xf32>
      %div3A_77 = arith.divf %get3A_69, %div3A_76 : vector<64x128xf32>
      %get3A_78 = arith.constant 0 : index
      %get3A_79 = arith.constant 0 : index
      %get3A_80 = vector.load %arg8[%get3A_78, %get3A_79] : memref<128x1xf32, #tpu.memory_space<vmem>>, vector<128x1xf32>
      %dot_general3A_81 = arith.constant dense<0.000000e+00> : vector<64x1xf32>
      %dot_general3A_82 = tpu.matmul %div3A_77, %get3A_80, %dot_general3A_81 {dimension_numbers = #tpu.dot_dimension_numbers<[1], [0], [0], [1], [0, 0, 1, 1], [], []>, transpose_lhs_hint = false} : vector<64x128xf32>, vector<128x1xf32>, vector<64x1xf32> -> vector<64x1xf32>
      %get3A_83 = arith.constant 0 : index
      %get3A_84 = arith.constant 0 : index
      %get3A_85 = vector.load %arg9[%get3A_83, %get3A_84] : memref<1x1xf32, #tpu.memory_space<vmem>>, vector<1x1xf32>
      %add3A_86 = vector.broadcast %get3A_85 : vector<1x1xf32> to vector<64x1xf32>
      %add3A_87 = arith.addf %dot_general3A_82, %add3A_86 : vector<64x1xf32>
      %swap3A_88 = arith.constant 0 : index
      %swap3A_89 = arith.constant 0 : index
      %swap3A_90 = vector.load %arg10[%swap3A_88, %swap3A_89] : memref<64x1xf32, #tpu.memory_space<vmem>>, vector<64x1xf32>
      tpu.vector_store %arg10[%swap3A_88, %swap3A_89], %add3A_87 {strides = array<i32>} : memref<64x1xf32, #tpu.memory_space<vmem>>, vector<64x1xf32>,
    } else {
    }
    return
  }
  func.func @transform_0(%arg0: i32) -> (i32, i32) {
    %c0_i32 = arith.constant 0 : i32
    %c0_i32_0 = arith.constant 0 : i32
    return %arg0, %c0_i32 : i32, i32
  }
  func.func @transform_1(%arg0: i32) -> (i32, i32) {
    %c0_i32 = arith.constant 0 : i32
    %c0_i32_0 = arith.constant 0 : i32
    return %arg0, %c0_i32 : i32, i32
  }
  func.func @transform_2(%arg0: i32) -> (i32, i32) {
    %c0_i32 = arith.constant 0 : i32
    %c0_i32_0 = arith.constant 0 : i32
    return %arg0, %c0_i32 : i32, i32
  }
  func.func @transform_3(%arg0: i32) -> (i32, i32) {
    %c0_i32 = arith.constant 0 : i32
    %c0_i32_0 = arith.constant 0 : i32
    return %arg0, %c0_i32 : i32, i32
  }
  func.func @transform_4(%arg0: i32) -> (i32, i32) {
    %c0_i32 = arith.constant 0 : i32
    %c0_i32_0 = arith.constant 0 : i32
    return %arg0, %c0_i32 : i32, i32
  }
  func.func @transform_5(%arg0: i32) -> (i32, i32, i32) {
    %c0_i32 = arith.constant 0 : i32
    %c0_i32_0 = arith.constant 0 : i32
    %c0_i32_1 = arith.constant 0 : i32
    return %arg0, %c0_i32, %c0_i32_0 : i32, i32, i32
  }
  func.func @transform_6(%arg0: i32) -> (i32, i32) {
    %c0_i32 = arith.constant 0 : i32
    %c0_i32_0 = arith.constant 0 : i32
    return %arg0, %c0_i32 : i32, i32
  }
  func.func @transform_7(%arg0: i32) -> (i32, i32) {
    %c0_i32 = arith.constant 0 : i32
    %c0_i32_0 = arith.constant 0 : i32
    %c0_i32_1 = arith.constant 0 : i32
    return %c0_i32, %c0_i32_0 : i32, i32
  }
  func.func @transform_8(%arg0: i32) -> (i32, i32) {
    %c0_i32 = arith.constant 0 : i32
    %c0_i32_0 = arith.constant 0 : i32
    %c0_i32_1 = arith.constant 0 : i32
    return %c0_i32, %c0_i32_0 : i32, i32
  }
  func.func @transform_9(%arg0: i32) -> (i32, i32) {
    %c0_i32 = arith.constant 0 : i32
    %c0_i32_0 = arith.constant 0 : i32
    %c0_i32_1 = arith.constant 0 : i32
    return %c0_i32, %c0_i32_0 : i32, i32
  }
}

</mosaic_0001>

<sc_bundles>
// kernel: kernel.11.cloned.1.call-start
scs
__scs_entry_jumppad:
0x0: {  	(pc) =	sbr.rel $0x88, $3  }
0x1: {  	(tag) =	ssettag $0x0;
	lr =	simm.s32 $0x1  }
0x2: {  	[smem:$0x3F95] =	sst lr;
	_ =	strace $0xD0000000  }
0x3: {  	_ = 	snop  }
0x4: {  	_ = 	snop  }
0x5: {  	_ = 	snop  }
0x6: {  	_ = 	snop  }
0x7: {  	_ = 	snop  }
__scs_overlays_trampoline_lowered:
0x8: {  	[smem:$0x3FA4] =	sst s0  }
0x9: {  	[smem:$0x3FA5] =	sst s1  }
0xa: {  	[smem:$0x3FA6] =	sst s2  }
0xb: {  	[smem:$0x3FA7] =	sst s3  }
0xc: {  	[smem:$0x3FA8] =	sst s4  }
0xd: {  	[smem:$0x3FA9] =	sst s5  }
0xe: {  	[smem:$0x3FAA] =	sst s6  }
0xf: {  	[smem:$0x3FAB] =	sst s7  }
0x10: {  	[smem:$0x3FAC] =	sst s8  }
0x11: {  	[smem:$0x3FAD] =	sst s9;
	s0 =	simm.s32 @!p0 $0x0  }
0x12: {  	s1 =	sld [smem:$0x3F93];
	s0 =	simm.s32 @p0 $0x1  }
0x13: {  	[smem:$0x3FAE] =	sst s0;
	s0 =	simm.s32 @!p1 $0x0  }
0x14: {  	s2 =	sld [smem:$0x3F92];
	s0 =	simm.s32 @p1 $0x1  }
0x15: {  	[smem:$0x3FAF] =	sst s0;
	s0 =	simm.s32 @!p2 $0x0  }
0x16: {  	s3 =	sld [smem:$0x3FDB];
	s0 =	simm.s32 @p2 $0x1  }
0x17: {  	s4 =	simm.s32 $0x1BF5;
	[smem:$0x3FB1] =	sst s0  }
0x18: {  	s0 =	sld [smem:$0x3F94];
	_ =	swait.ge [sflag:s4], $0x0  }
0x19: {  	s7 =	sld [smem:$0x3F95]  }
0x1a: {  	s8 =	sadd.s32 $0xFFFFE003, lr  }
0x1b: {  	s9 =	sadd.s32 $0xFFFFFEF7, lr;
	s5 =	simm.s32 $0xFFFFFFFF;
	p2 =	slt.u32 s8, $0xFFFFF086  }
0x1c: {  	p1 =	slt.u32 s9, $0xF7A;
	s5 =	simm.s32 @!p2 $0x0  }
0x1d: {  	s5 =	simm.s32 @p1 $0x1;
	p0 =	seq.s32 s7, s2  }
0x1e: {  	s7 =	smul.u32 @!p0 $0xF7A, s2;
	p2 =	seq.s32 @!p0 s5, $0x0  }
0x1f: {  	s9 =	smul.u32 $0xF7A, s1;
	s8 =	simm.s32 @!p0 $0x1BF5;
	p2 =	por !p2, p0  }
0x20: {  	[sflag:s8] =	ssyncset.s32 @!p0 $0xFFFFF086;
	s6 =	sadd.s32 @!p0 s3, s7;
	s7 =	simm.s32 @!p0 $0x108  }
0x21: {  	s3 =	sadd.s32 s3, s9;
	s6 =	sadd.s32 @!p0 $0x88, s6;
	s7 =	simm.s32 @p2 $0x1082  }
0x22: {  	[simem:s7], [sflag:s8] =	dma.local @!p0 [hbm:s6], $0xF7A  }
0x23: {  	s9 =	sor.u32 $0xD0000000, s2;
	s6 =	simm.s32 $0x108;
	_ =	swait.ge @!p0 [sflag:s8], $0x0  }
0x24: {  	s3 =	sadd.s32 $0x88, s3;
	s6 =	simm.s32 @!p1 $0x1082;
	[sflag:s4] =	ssyncset.s32 $0xFFFFF086  }
0x25: {  	[simem:s6], [sflag:s4] =	dma.local [hbm:s3], $0xF7A  }
0x26: {  	[smem:$0x3F95] =	sst s1;
	(tag) =	ssettag s2;
	_ =	strace s9  }
0x27: {  	s1 =	sld [smem:$0x3FA5]  }
0x28: {  	s2 =	sld [smem:$0x3FA6]  }
0x29: {  	s4 =	sld [smem:$0x3FA8]  }
0x2a: {  	p0 =	seq.s32 s5, $0x0;
	s5 =	sld [smem:$0x3FA9]  }
0x2b: {  	s6 =	sld [smem:$0x3FAA]  }
0x2c: {  	s7 =	sld [smem:$0x3FAB]  }
0x2d: {  	s3 =	simm.s32 $0x108;
	s8 =	sld [smem:$0x3FAC]  }
0x2e: {  	s3 =	simm.s32 @!p0 $0x1082;
	s9 =	sld [smem:$0x3FAD]  }
0x2f: {  	lr =	sadd.s32 s0, s3;
	s0 =	sld [smem:$0x3FA4]  }
0x30: {  	s3 =	sld [smem:$0x3FA7]  }
0x31: {  	[smem:$0x3FB0] =	sst s10  }
0x32: {  	s10 =	sld [smem:$0x3FAE];
	_ =	sdelay $0x3  }
0x33: {  	p0 =	seq.s32 s10, $0x1;
	s10 =	sld [smem:$0x3FB0];
	_ =	sdelay $0x3  }
0x34: {  	[smem:$0x3FB0] =	sst s10  }
0x35: {  	s10 =	sld [smem:$0x3FAF];
	_ =	sdelay $0x3  }
0x36: {  	p1 =	seq.s32 s10, $0x1;
	s10 =	sld [smem:$0x3FB0];
	_ =	sdelay $0x3  }
0x37: {  	[smem:$0x3FB0] =	sst s10  }
0x38: {  	s10 =	sld [smem:$0x3FB1]  }
0x39: {  	_ = 	snop;
	(pc) =	sbr.ind lr, $3  }
0x3a: {  	_ = 	snop  }
0x3b: {  	_ = 	snop  }
0x3c: {  	p2 =	seq.s32 s10, $0x1;
	s10 =	sld [smem:$0x3FB0]  }
0x3d: {  	_ =	shalt  }
0x3e: {  	_ =	shalt  }
0x3f: {  	_ =	shalt  }
0x40: {  	_ =	shalt  }
0x41: {  	_ =	shalt  }
0x42: {  	_ =	shalt  }
0x43: {  	_ =	shalt  }
0x44: {  	_ =	shalt  }
0x45: {  	_ =	shalt  }
0x46: {  	_ =	shalt  }
0x47: {  	_ =	shalt  }
0x48: {  	_ =	shalt  }
0x49: {  	_ =	shalt  }
0x4a: {  	_ =	shalt  }
0x4b: {  	_ =	shalt  }
0x4c: {  	_ =	shalt  }
0x4d: {  	_ =	shalt  }
0x4e: {  	_ =	shalt  }
0x4f: {  	_ =	shalt  }
0x50: {  	_ =	shalt  }
0x51: {  	_ =	shalt  }
0x52: {  	_ =	shalt  }
0x53: {  	_ =	shalt  }
0x54: {  	_ =	shalt  }
0x55: {  	_ =	shalt  }
0x56: {  	_ =	shalt  }
0x57: {  	_ =	shalt  }
0x58: {  	_ =	shalt  }
0x59: {  	_ =	shalt  }
0x5a: {  	_ =	shalt  }
0x5b: {  	_ =	shalt  }
0x5c: {  	_ =	shalt  }
0x5d: {  	_ =	shalt  }
0x5e: {  	_ =	shalt  }
0x5f: {  	_ =	shalt  }
0x60: {  	_ =	shalt  }
0x61: {  	_ =	shalt  }
0x62: {  	_ =	shalt  }
0x63: {  	_ =	shalt  }
0x64: {  	_ =	shalt  }
0x65: {  	_ =	shalt  }
0x66: {  	_ =	shalt  }
0x67: {  	_ =	shalt  }
0x68: {  	_ =	shalt  }
0x69: {  	_ =	shalt  }
0x6a: {  	_ =	shalt  }
0x6b: {  	_ =	shalt  }
0x6c: {  	_ =	shalt  }
0x6d: {  	_ =	shalt  }
0x6e: {  	_ =	shalt  }
0x6f: {  	_ =	shalt  }
0x70: {  	_ =	shalt  }
0x71: {  	_ =	shalt  }
0x72: {  	_ =	shalt  }
0x73: {  	_ =	shalt  }
0x74: {  	_ =	shalt  }
0x75: {  	_ =	shalt  }
0x76: {  	_ =	shalt  }
0x77: {  	_ =	shalt  }
0x78: {  	_ =	shalt  }
0x79: {  	_ =	shalt  }
0x7a: {  	_ =	shalt  }
0x7b: {  	_ =	shalt  }
0x7c: {  	_ =	shalt  }
0x7d: {  	_ =	shalt  }
0x7e: {  	_ =	shalt  }
0x7f: {  	_ =	shalt  }
0x80: {  	_ =	shalt  }
0x81: {  	_ =	shalt  }
0x82: {  	_ =	shalt  }
0x83: {  	_ =	shalt  }
0x84: {  	_ =	shalt  }
0x85: {  	_ =	shalt  }
0x86: {  	_ =	shalt  }
0x87: {  	_ =	shalt  }
.Lfunc_end0:
.L_simem_size_0:
called_computation.1_lowered:
.L_overlay_start_0:
0x88: {  	s2 =	sld [smem:$0x3FD9]  }
0x89: {  	s3 =	sld [smem:$0x3FFE];
	_ =	sdelay $0x1  }
0x8a: {  	s1 =	srdreg.scid  }
0x8b: {  	s0 =	sand.u32 $0x1, s1  }
0x8c: {  	s16 =	sshll.u32 s0, $0xA;
	s2 =	sadd.s32 s3, s2  }
0x8d: {  	s2 =	sadd.s32 s2, s16  }
0x8e: {  	[smem:$0x3FBC] =	sst s2  }
0x8f: {  	_ = 	snop  }
0x90: {  	(tm) =	ssettm $0x1  }
0x91: {  	s17 =	sld [smem:$0x3FFB];
	_ =	sdelay $0x3  }
0x92: {  	_ =	strace s17  }
0x93: {  	s2 =	sld [smem:$0x3FFC];
	_ =	sdelay $0x3  }
0x94: {  	_ =	strace s2  }
0x95: {  	s2 =	sld [smem:$0x3FFD];
	_ =	sdelay $0x3  }
0x96: {  	_ =	strace s2  }
0x97: {  	_ =	strace $0x8FFFFFFF  }
0x98: {  	s18 =	sld [smem:$0x3FDB];
	_ =	sdelay $0x1  }
0x99: {  	s19 =	simm.s32 $_scs_section_size  }
0x9a: {  	s4 =	simm.s32 $_size__tile_overlayer_lowered;
	s5 =	simm.s32 $_tile_overlayer_lowered  }
0x9b: {  	s22 =	simm.s32 $0x1BFF;
	s21 =	sshll.u32 s5, $0x1;
	s2 =	sadd.s32 s19, s18  }
0x9c: {  	s6 =	simm.s32 $0x0;
	s20 =	sshll.u32 s4, $0x1;
	s4 =	sadd.s32 s21, s2  }
0x9d: {  	[timem:s6], [sflag:s22] =	dma.local [hbm:s4], s20  }
0x9e: {  	_ =	swait.ge [sflag:s22], s20  }
0x9f: {  	s3 =	ssub.s32 $0x0, s20;
	[sflag:s22] =	ssyncset.done $0x0  }
0xa0: {  	[sflag:s22] =	ssyncadd.s32 s3;
	_ =	sdelay $0x1  }
0xa1: {  	s23 =	simm.s32 $0x1B8B  }
0xa2: {  	_ =	swait.ge [sflag:s23], $0x1  }
0xa3: {  	[sflag:s23] =	ssyncset.done $0x0  }
0xa4: {  	s25 =	simm.s32 $0x1B8E;
	s24 =	sld [smem:$0x3FFE];
	[sflag:s23] =	ssyncadd.s32 $0xFFFFFFFF  }
0xa5: {  	s26 =	simm.s32 $execute0_lowered;
	[smem:$0x3FD2] =	sst s25  }
0xa6: {  	s4 =	sshll.u32 s26, $0x1;
	_ =	strace $0x80000046;
	[dreg:$0x1] =	wrdreg $0xFFFFFFFF  }
0xa7: {  	s28 =	simm.s32 $_size_execute0_lowered;
	s2 =	sadd.s32 s2, s4;
	[dreg:$0x0] =	wrdreg $0x0  }
0xa8: {  	s4 =	sshll.u32 s28, $0x1;
	[dreg:$0x2] =	wrdreg s2  }
0xa9: {  	[dreg:$0x3] =	wrdreg s4  }
0xaa: {  	[dreg:$0x4] =	wrdreg $0xC0  }
0xab: {  	_ =	task [dreg:s6], $0x5FFFF  }
0xac: {  	[dreg:$0x1] =	wrdreg $0xFFFFFFFF  }
0xad: {  	[dreg:$0x0] =	wrdreg $0x60  }
0xae: {  	[dreg:$0x2] =	wrdreg s24  }
0xaf: {  	[dreg:$0x3] =	wrdreg $0x88000  }
0xb0: {  	[dreg:$0x4] =	wrdreg $0xA  }
0xb1: {  	_ =	task.clear_ibuf [dreg:s6], $0x5FFFF;
	_ =	strace $0x90000046  }
0xb2: {  	s29 =	simm.s32 $0xA;
	_ =	strace $0x80000048  }
0xb3: {  	_ =	swait.ge [sflag:s29], $0x1  }
0xb4: {  	[sflag:s29] =	ssyncadd.s32 $0xFFFFFFFF  }
0xb5: {  	_ =	strace $0x90000048  }
0xb6: {  	_ =	sfence  }
0xb7: {  	s30 =	sld [smem:$0x0];
	_ =	sdelay $0x2  }
0xb8: {  	s31 =	sshll.u32 s1, $0xD;
	s1 =	sshrl.u32 s1, $0x2  }
0xb9: {  	s3 =	sand.u32 $0x4000, s31;
	s1 =	sadd.s32 s1, s30  }
0xba: {  	s0 =	sor.u32 s3, s0;
	s1 =	sshll.u32 s1, $0x11  }
0xbb: {  	s0 =	sor.u32 s1, s0  }
0xbc: {  	s0 =	sadd.s32 $0x8F2B, s0  }
0xbd: {  	[sflag:s0] =	ssyncadd.remote.s32 $0x1  }
0xbe: {  	_ =	sfence.sel $0xFFFF  }
0xbf: {  	[dreg:$0x0] =	wrdreg $0xFFFFFFFF;
	(pc) =	sbr.abs _section_cstart, $3  }
0xc0: {  	[dreg:$0x1] =	wrdreg $0xFFFFFFFF  }
0xc1: {  	_ =	task.clear_ibuf [dreg:s6], $0x2FFFF;
	_ =	strace $0x9FFFFFFF  }
0xc2: {  	(tm) =	ssettm $0x7FFFFFFF  }
0xc3: {  	_ =	shalt  }
tec
execute0_lowered:
.L_overlay_start_1:
0x0: {  	(tag) =	ssettag $0x1  }
0x1: {  	s0 =	rddreg [dreg:$0x0]  }
0x2: {  	s2 =	rddreg [dreg:$0x1];
	s3 =	simm.s32 $0x0  }
0x3: {  	s1 =	srdreg.scid;
	s10 =	stileid.u32;
	s11 =	simm.s32 $0x2  }
0x4: {  	s12 =	simm.s32 $0x400;
	s13 =	simm.s32 $0x80;
	s14 =	simm.s32 $0x800  }
0x5: {  	s15 =	simm.s32 $0x4800;
	s16 =	simm.s32 $0x1;
	s17 =	simm.s32 $0x100  }
0x6: {  	s18 =	simm.s32 $0x480;
	s19 =	simm.s32 $0x180;
	s20 =	simm.s32 $0x500  }
0x7: {  	s28 =	simm.s32 $0x680;
	s29 =	simm.s32 $0x380;
	s30 =	simm.s32 $0x700  }
0x8: {  	s31 =	simm.s32 $0x780;
	s7 =	sand.u32 $0x1, s1;
	s1 =	smul.u32 $0x98, s10  }
0x9: {  	s4 =	sshll.u32 s10, $0x3;
	[smem:$0x7FF] =	sst s3;
	s8 =	smul.u32 $0x4F000, s10  }
0xa: {  	s9 =	sadd.s32 $0x66000, s0;
	s24 =	sshll.u32 s10, $0x6;
	s26 =	smul.u32 $0x2780, s10  }
0xb: {  	p0 =	seq.s32 s7, $0x0;
	s5 =	sor.u32 $0x980, s4;
	_ =	strace $0x80000047  }
0xc: {  	s4 =	sadd.s32 $0x17C00, s0;
	s21 =	smul.u32 $0x27800, s7;
	s6 =	ssub.s32 $0x2, s7  }
0xd: {  	[dreg:$0x3] =	wrdreg s9;
	s5 =	smov.u32 @p0 s1;
	s22 =	sshrl.u32 s6, $0x1  }
0xe: {  	s23 =	sshrl.u32 s8, $0x2;
	p0 =	sne.s32 s7, $0x0;
	s1 =	sshll.u32 s5, $0x4  }
0xf: {  	s5 =	ssub.s32 s6, s22;
	s25 =	sadd.s32 s23, s2;
	s6 =	sor.u32 $0x1C02, s24  }
0x10: {  	s22 =	simm.s32 $0x580;
	s23 =	simm.s32 $0x280;
	s1 =	sadd.s32 s1, s0  }
0x11: {  	s0 =	sadd.s32 s21, s0;
	s5 =	smax.u32 s5, $0x1;
	s10 =	sshrl.u32 s25, $0x3  }
0x12: {  	s21 =	simm.s32 $0x200;
	s25 =	simm.s32 $0x600;
	s0 =	sadd.s32 $0x68800, s0  }
0x13: {  	[dreg:$0x4] =	wrdreg s5;
	s5 =	sadd.s32 $0x3C00, s1;
	s1 =	sadd.s32 $0xDC00, s1  }
0x14: {  	s24 =	sadd.s32 s26, s0;
	s26 =	simm.s32 $0x300;
	s0 =	simm.s32 $0x0  }
.LBB2_1:
0x15: {  	s7 =	rddreg [dreg:$0x3]  }
0x16: {  	[spmem:s10], [sflag:s6] =	dma.local [hbm:s7], $0x2780  }
0x17: {  	_ =	swait.ge [sflag:s11], $0x2780  }
0x18: {  	[sflag:s11] =	ssyncset.done $0x0  }
0x19: {  	s9 =	smov.u32 s1;
	[sflag:s11] =	ssyncadd.s32 $0xFFFFD880  }
0x1a: {  	s8 =	smov.u32 s5;
	s7 =	simm.s32 $0x0;
	[bflag:$0x0] =	sbarrier.arrive $0xFFFF  }
.LBB2_2:
0x1b: {  	[tilespmem:s3], [sflag:$0x2] =	stream.linear.gather [hbm4b:s9+s3], $0x400, $0x38;
	[tilespmem:$0x1C400] =	vst v63  }
0x1c: {  	_ =	swait.ge [sflag:s11], $0x400  }
0x1d: {  	[sflag:s11] =	ssyncset.done $0x0  }
0x1e: {  	[sflag:s11] =	ssyncadd.s32 $0xFFFFFC00  }
0x1f: {  	[tilespmem:s12], [sflag:$0x2] =	stream.linear.gather [hbm4b:s8+s3], $0x400, $0x38;
	[tilespmem:$0x1C400] =	vst v63  }
0x20: {  	_ =	swait.ge [sflag:s11], $0x400  }
0x21: {  	[sflag:s11] =	ssyncset.done $0x0  }
0x22: {  	[sflag:s11] =	ssyncadd.s32 $0xFFFFFC00  }
0x23: {  	[tilespmem:s14], [sflag:$0x1] =	stream.indirect.gather [hbm4b:s4+s13], $0x80, s3, s13, $0xb8;
	[tilespmem:$0x1C400] =	vst v63  }
0x24: {  	_ = 	snop  }
0x25: {  	[tilespmem:s15], [sflag:$0x1] =	stream.indirect.gather [hbm4b:s4+s13], $0x80, s13, s13, $0xb8;
	[tilespmem:$0x1C400] =	vst v63  }
0x26: {  	_ =	swait.ge [sflag:s16], $0x4000  }
0x27: {  	[sflag:s16] =	ssyncset.done $0x0  }
0x28: {  	[sflag:s16] =	ssyncadd.s32 $0xFFFFC000  }
0x29: {  	[spmem:s2] =	stream.indirect.scatter.add.f32 [tilespmem:s14], [sflag:$0x2], $0x80, s12, s13, $0xb8;
	[tilespmem:$0x1C400] =	vst v63  }
0x2a: {  	_ =	swait.ge [sflag:s11], $0x4000  }
0x2b: {  	[sflag:s11] =	ssyncset.done $0x0  }
0x2c: {  	[sflag:s11] =	ssyncadd.s32 $0xFFFFC000  }
0x2d: {  	[tilespmem:s14], [sflag:$0x1] =	stream.indirect.gather [hbm4b:s4+s13], $0x80, s17, s13, $0xb8;
	[tilespmem:$0x1C400] =	vst v63  }
0x2e: {  	_ =	swait.ge [sflag:s16], $0x4000  }
0x2f: {  	[sflag:s16] =	ssyncset.done $0x0  }
0x30: {  	[sflag:s16] =	ssyncadd.s32 $0xFFFFC000  }
0x31: {  	[spmem:s2] =	stream.indirect.scatter.add.f32 [tilespmem:s15], [sflag:$0x2], $0x80, s18, s13, $0xb8;
	[tilespmem:$0x1C400] =	vst v63  }
0x32: {  	_ =	swait.ge [sflag:s11], $0x4000  }
0x33: {  	[sflag:s11] =	ssyncset.done $0x0  }
0x34: {  	[sflag:s11] =	ssyncadd.s32 $0xFFFFC000  }
0x35: {  	[tilespmem:s15], [sflag:$0x1] =	stream.indirect.gather [hbm4b:s4+s13], $0x80, s19, s13, $0xb8;
	[tilespmem:$0x1C400] =	vst v63  }
0x36: {  	_ =	swait.ge [sflag:s16], $0x4000  }
0x37: {  	[sflag:s16] =	ssyncset.done $0x0  }
0x38: {  	[sflag:s16] =	ssyncadd.s32 $0xFFFFC000  }
0x39: {  	[spmem:s2] =	stream.indirect.scatter.add.f32 [tilespmem:s14], [sflag:$0x2], $0x80, s20, s13, $0xb8;
	[tilespmem:$0x1C400] =	vst v63  }
0x3a: {  	_ =	swait.ge [sflag:s11], $0x4000  }
0x3b: {  	[sflag:s11] =	ssyncset.done $0x0  }
0x3c: {  	[sflag:s11] =	ssyncadd.s32 $0xFFFFC000  }
0x3d: {  	[tilespmem:s14], [sflag:$0x1] =	stream.indirect.gather [hbm4b:s4+s13], $0x80, s21, s13, $0xb8;
	[tilespmem:$0x1C400] =	vst v63  }
0x3e: {  	_ =	swait.ge [sflag:s16], $0x4000  }
0x3f: {  	[sflag:s16] =	ssyncset.done $0x0  }
0x40: {  	[sflag:s16] =	ssyncadd.s32 $0xFFFFC000  }
0x41: {  	[spmem:s2] =	stream.indirect.scatter.add.f32 [tilespmem:s15], [sflag:$0x2], $0x80, s22, s13, $0xb8;
	[tilespmem:$0x1C400] =	vst v63  }
0x42: {  	_ =	swait.ge [sflag:s11], $0x4000  }
0x43: {  	[sflag:s11] =	ssyncset.done $0x0  }
0x44: {  	[sflag:s11] =	ssyncadd.s32 $0xFFFFC000  }
0x45: {  	[tilespmem:s15], [sflag:$0x1] =	stream.indirect.gather [hbm4b:s4+s13], $0x80, s23, s13, $0xb8;
	[tilespmem:$0x1C400] =	vst v63  }
0x46: {  	_ =	swait.ge [sflag:s16], $0x4000  }
0x47: {  	[sflag:s16] =	ssyncset.done $0x0  }
0x48: {  	[sflag:s16] =	ssyncadd.s32 $0xFFFFC000  }
0x49: {  	[spmem:s2] =	stream.indirect.scatter.add.f32 [tilespmem:s14], [sflag:$0x2], $0x80, s25, s13, $0xb8;
	[tilespmem:$0x1C400] =	vst v63  }
0x4a: {  	_ =	swait.ge [sflag:s11], $0x4000  }
0x4b: {  	[sflag:s11] =	ssyncset.done $0x0  }
0x4c: {  	[sflag:s11] =	ssyncadd.s32 $0xFFFFC000  }
0x4d: {  	[tilespmem:s14], [sflag:$0x1] =	stream.indirect.gather [hbm4b:s4+s13], $0x80, s26, s13, $0xb8;
	[tilespmem:$0x1C400] =	vst v63  }
0x4e: {  	_ =	swait.ge [sflag:s16], $0x4000  }
0x4f: {  	[sflag:s16] =	ssyncset.done $0x0  }
0x50: {  	[sflag:s16] =	ssyncadd.s32 $0xFFFFC000  }
0x51: {  	[spmem:s2] =	stream.indirect.scatter.add.f32 [tilespmem:s15], [sflag:$0x2], $0x80, s28, s13, $0xb8;
	[tilespmem:$0x1C400] =	vst v63  }
0x52: {  	_ =	swait.ge [sflag:s11], $0x4000  }
0x53: {  	[sflag:s11] =	ssyncset.done $0x0  }
0x54: {  	[sflag:s11] =	ssyncadd.s32 $0xFFFFC000  }
0x55: {  	[tilespmem:s15], [sflag:$0x1] =	stream.indirect.gather [hbm4b:s4+s13], $0x80, s29, s13, $0xb8;
	[tilespmem:$0x1C400] =	vst v63  }
0x56: {  	_ =	swait.ge [sflag:s16], $0x4000  }
0x57: {  	[sflag:s16] =	ssyncset.done $0x0  }
0x58: {  	[sflag:s16] =	ssyncadd.s32 $0xFFFFC000  }
0x59: {  	[spmem:s2] =	stream.indirect.scatter.add.f32 [tilespmem:s14], [sflag:$0x2], $0x80, s30, s13, $0xb8;
	[tilespmem:$0x1C400] =	vst v63  }
0x5a: {  	_ =	swait.ge [sflag:s11], $0x4000  }
0x5b: {  	[sflag:s11] =	ssyncset.done $0x0  }
0x5c: {  	[sflag:s11] =	ssyncadd.s32 $0xFFFFC000  }
0x5d: {  	p1 =	slt.u32 @!p0 s7, $0x12;
	_ =	swait.ge [sflag:s16], $0x4000  }
0x5e: {  	p1 =	por p0, !p1;
	[sflag:s16] =	ssyncset.done $0x0  }
.Ltmp0:
0x5f: {  	[sflag:s16] =	ssyncadd.s32 $0xFFFFC000;
	(pc) =	sbr.rel @!p1 .LBB2_2-.Ltmp0, $4  }
0x60: {  	[spmem:s2] =	stream.indirect.scatter.add.f32 [tilespmem:s15], [sflag:$0x2], $0x80, s31, s13, $0xb8;
	[tilespmem:$0x1C400] =	vst v63  }
0x61: {  	_ =	swait.ge [sflag:s11], $0x4000  }
0x62: {  	s7 =	sadd.s32 $0x1, s7;
	[sflag:s11] =	ssyncset.done $0x0  }
0x63: {  	s9 =	sadd.s32 $0x80, s9;
	s8 =	sadd.s32 $0x80, s8;
	[sflag:s11] =	ssyncadd.s32 $0xFFFFC000  }
0x64: {  	[bflag:$0x0] =	sbarrier.arrive $0xFFFF  }
0x65: {  	[hbm:s24], [sflag:s6] =	dma.local [spmem:s10], $0x2780  }
0x66: {  	_ =	swait.ge [sflag:s11], $0x2780  }
0x67: {  	s0 =	sadd.s32 $0x1, s0;
	s7 =	rddreg [dreg:$0x4]  }
0x68: {  	p1 =	sne.s32 s0, s7  }
.Ltmp1:
0x69: {  	_ = 	snop;
	(pc) =	sbr.rel @p1 .LBB2_1-.Ltmp1, $3  }
0x6a: {  	_ =	sdelay $0x1  }
0x6b: {  	[sflag:s11] =	ssyncset.done $0x0  }
0x6c: {  	[sflag:s11] =	ssyncadd.s32 $0xFFFFD880  }
0x6d: {  	_ =	sfence.sel $0x180000  }
0x6e: {  	[bflag:$0x0] =	sbarrier.arrive $0xFFFF  }
0x6f: {  	_ =	strace $0x90000047  }
0x70: {  	s0 =	stileid.u32;
	[bflag:$0x2] =	sbarrier.arrive $0xFFFF  }
0x71: {  	p0 =	sne.s32 s0, $0x0;
	s0 =	rddreg [dreg:$0x2]  }
0x72: {  	s0 =	sadd.s32 @!p0 $0x100000, s0  }
0x73: {  	[sflag:s0] =	ssyncadd.tile.s32 @!p0 $0x1;
	_ =	shalt  }
.Lfunc_end2:
_tile_overlayer_lowered:
.L_overlay_start_2:
0x74: {  	(tag) =	ssettag $0x2  }
0x75: {  	s0 =	rddreg [dreg:$0x0];
	s2 =	stileid.u32  }
0x76: {  	s1 =	rddreg [dreg:$0x1];
	p0 =	sne.s32 s2, $0x0  }
0x77: {  	s3 =	rddreg [dreg:$0x2];
	[bflag:$0x3] =	sbarrier.arrive $0xFFFF;
	s2 =	simm.s32 @!p0 $0x1C02  }
0x78: {  	[timem:s3], [sflag:s2] =	dma.local @!p0 [hbm:s0], s1  }
0x79: {  	s0 =	simm.s32 @!p0 $0x2  }
0x7a: {  	_ =	swait.ge @!p0 [sflag:s0], s1  }
0x7b: {  	s1 =	ssub.s32 @!p0 $0x0, s1;
	[sflag:s0] =	ssyncset.done @!p0 $0x0  }
0x7c: {  	[sflag:s0] =	ssyncadd.s32 @!p0 s1  }
0x7d: {  	[bflag:$0x3] =	sbarrier.arrive $0xFFFF  }
0x7e: {  	_ =	shalt  }

// kernel: kernel.14.cloned.1.call-start
scs
__scs_entry_jumppad:
0x0: {  	(pc) =	sbr.rel $0x88, $3  }
0x1: {  	(tag) =	ssettag $0x0;
	lr =	simm.s32 $0x1  }
0x2: {  	[smem:$0x3F95] =	sst lr;
	_ =	strace $0xD0000000  }
0x3: {  	_ = 	snop  }
0x4: {  	_ = 	snop  }
0x5: {  	_ = 	snop  }
0x6: {  	_ = 	snop  }
0x7: {  	_ = 	snop  }
__scs_overlays_trampoline_lowered:
0x8: {  	[smem:$0x3FA4] =	sst s0  }
0x9: {  	[smem:$0x3FA5] =	sst s1  }
0xa: {  	[smem:$0x3FA6] =	sst s2  }
0xb: {  	[smem:$0x3FA7] =	sst s3  }
0xc: {  	[smem:$0x3FA8] =	sst s4  }
0xd: {  	[smem:$0x3FA9] =	sst s5  }
0xe: {  	[smem:$0x3FAA] =	sst s6  }
0xf: {  	[smem:$0x3FAB] =	sst s7  }
0x10: {  	[smem:$0x3FAC] =	sst s8  }
0x11: {  	[smem:$0x3FAD] =	sst s9;
	s0 =	simm.s32 @!p0 $0x0  }
0x12: {  	s1 =	sld [smem:$0x3F93];
	s0 =	simm.s32 @p0 $0x1  }
0x13: {  	[smem:$0x3FAE] =	sst s0;
	s0 =	simm.s32 @!p1 $0x0  }
0x14: {  	s2 =	sld [smem:$0x3F92];
	s0 =	simm.s32 @p1 $0x1  }
0x15: {  	[smem:$0x3FAF] =	sst s0;
	s0 =	simm.s32 @!p2 $0x0  }
0x16: {  	s3 =	sld [smem:$0x3FDB];
	s0 =	simm.s32 @p2 $0x1  }
0x17: {  	s4 =	simm.s32 $0x1BF5;
	[smem:$0x3FB1] =	sst s0  }
0x18: {  	s0 =	sld [smem:$0x3F94];
	_ =	swait.ge [sflag:s4], $0x0  }
0x19: {  	s7 =	sld [smem:$0x3F95]  }
0x1a: {  	s8 =	sadd.s32 $0xFFFFE003, lr  }
0x1b: {  	s9 =	sadd.s32 $0xFFFFFEF7, lr;
	s5 =	simm.s32 $0xFFFFFFFF;
	p2 =	slt.u32 s8, $0xFFFFF086  }
0x1c: {  	p1 =	slt.u32 s9, $0xF7A;
	s5 =	simm.s32 @!p2 $0x0  }
0x1d: {  	s5 =	simm.s32 @p1 $0x1;
	p0 =	seq.s32 s7, s2  }
0x1e: {  	s7 =	smul.u32 @!p0 $0xF7A, s2;
	p2 =	seq.s32 @!p0 s5, $0x0  }
0x1f: {  	s9 =	smul.u32 $0xF7A, s1;
	s8 =	simm.s32 @!p0 $0x1BF5;
	p2 =	por !p2, p0  }
0x20: {  	[sflag:s8] =	ssyncset.s32 @!p0 $0xFFFFF086;
	s6 =	sadd.s32 @!p0 s3, s7;
	s7 =	simm.s32 @!p0 $0x108  }
0x21: {  	s3 =	sadd.s32 s3, s9;
	s6 =	sadd.s32 @!p0 $0x88, s6;
	s7 =	simm.s32 @p2 $0x1082  }
0x22: {  	[simem:s7], [sflag:s8] =	dma.local @!p0 [hbm:s6], $0xF7A  }
0x23: {  	s9 =	sor.u32 $0xD0000000, s2;
	s6 =	simm.s32 $0x108;
	_ =	swait.ge @!p0 [sflag:s8], $0x0  }
0x24: {  	s3 =	sadd.s32 $0x88, s3;
	s6 =	simm.s32 @!p1 $0x1082;
	[sflag:s4] =	ssyncset.s32 $0xFFFFF086  }
0x25: {  	[simem:s6], [sflag:s4] =	dma.local [hbm:s3], $0xF7A  }
0x26: {  	[smem:$0x3F95] =	sst s1;
	(tag) =	ssettag s2;
	_ =	strace s9  }
0x27: {  	s1 =	sld [smem:$0x3FA5]  }
0x28: {  	s2 =	sld [smem:$0x3FA6]  }
0x29: {  	s4 =	sld [smem:$0x3FA8]  }
0x2a: {  	p0 =	seq.s32 s5, $0x0;
	s5 =	sld [smem:$0x3FA9]  }
0x2b: {  	s6 =	sld [smem:$0x3FAA]  }
0x2c: {  	s7 =	sld [smem:$0x3FAB]  }
0x2d: {  	s3 =	simm.s32 $0x108;
	s8 =	sld [smem:$0x3FAC]  }
0x2e: {  	s3 =	simm.s32 @!p0 $0x1082;
	s9 =	sld [smem:$0x3FAD]  }
0x2f: {  	lr =	sadd.s32 s0, s3;
	s0 =	sld [smem:$0x3FA4]  }
0x30: {  	s3 =	sld [smem:$0x3FA7]  }
0x31: {  	[smem:$0x3FB0] =	sst s10  }
0x32: {  	s10 =	sld [smem:$0x3FAE];
	_ =	sdelay $0x3  }
0x33: {  	p0 =	seq.s32 s10, $0x1;
	s10 =	sld [smem:$0x3FB0];
	_ =	sdelay $0x3  }
0x34: {  	[smem:$0x3FB0] =	sst s10  }
0x35: {  	s10 =	sld [smem:$0x3FAF];
	_ =	sdelay $0x3  }
0x36: {  	p1 =	seq.s32 s10, $0x1;
	s10 =	sld [smem:$0x3FB0];
	_ =	sdelay $0x3  }
0x37: {  	[smem:$0x3FB0] =	sst s10  }
0x38: {  	s10 =	sld [smem:$0x3FB1]  }
0x39: {  	_ = 	snop;
	(pc) =	sbr.ind lr, $3  }
0x3a: {  	_ = 	snop  }
0x3b: {  	_ = 	snop  }
0x3c: {  	p2 =	seq.s32 s10, $0x1;
	s10 =	sld [smem:$0x3FB0]  }
0x3d: {  	_ =	shalt  }
0x3e: {  	_ =	shalt  }
0x3f: {  	_ =	shalt  }
0x40: {  	_ =	shalt  }
0x41: {  	_ =	shalt  }
0x42: {  	_ =	shalt  }
0x43: {  	_ =	shalt  }
0x44: {  	_ =	shalt  }
0x45: {  	_ =	shalt  }
0x46: {  	_ =	shalt  }
0x47: {  	_ =	shalt  }
0x48: {  	_ =	shalt  }
0x49: {  	_ =	shalt  }
0x4a: {  	_ =	shalt  }
0x4b: {  	_ =	shalt  }
0x4c: {  	_ =	shalt  }
0x4d: {  	_ =	shalt  }
0x4e: {  	_ =	shalt  }
0x4f: {  	_ =	shalt  }
0x50: {  	_ =	shalt  }
0x51: {  	_ =	shalt  }
0x52: {  	_ =	shalt  }
0x53: {  	_ =	shalt  }
0x54: {  	_ =	shalt  }
0x55: {  	_ =	shalt  }
0x56: {  	_ =	shalt  }
0x57: {  	_ =	shalt  }
0x58: {  	_ =	shalt  }
0x59: {  	_ =	shalt  }
0x5a: {  	_ =	shalt  }
0x5b: {  	_ =	shalt  }
0x5c: {  	_ =	shalt  }
0x5d: {  	_ =	shalt  }
0x5e: {  	_ =	shalt  }
0x5f: {  	_ =	shalt  }
0x60: {  	_ =	shalt  }
0x61: {  	_ =	shalt  }
0x62: {  	_ =	shalt  }
0x63: {  	_ =	shalt  }
0x64: {  	_ =	shalt  }
0x65: {  	_ =	shalt  }
0x66: {  	_ =	shalt  }
0x67: {  	_ =	shalt  }
0x68: {  	_ =	shalt  }
0x69: {  	_ =	shalt  }
0x6a: {  	_ =	shalt  }
0x6b: {  	_ =	shalt  }
0x6c: {  	_ =	shalt  }
0x6d: {  	_ =	shalt  }
0x6e: {  	_ =	shalt  }
0x6f: {  	_ =	shalt  }
0x70: {  	_ =	shalt  }
0x71: {  	_ =	shalt  }
0x72: {  	_ =	shalt  }
0x73: {  	_ =	shalt  }
0x74: {  	_ =	shalt  }
0x75: {  	_ =	shalt  }
0x76: {  	_ =	shalt  }
0x77: {  	_ =	shalt  }
0x78: {  	_ =	shalt  }
0x79: {  	_ =	shalt  }
0x7a: {  	_ =	shalt  }
0x7b: {  	_ =	shalt  }
0x7c: {  	_ =	shalt  }
0x7d: {  	_ =	shalt  }
0x7e: {  	_ =	shalt  }
0x7f: {  	_ =	shalt  }
0x80: {  	_ =	shalt  }
0x81: {  	_ =	shalt  }
0x82: {  	_ =	shalt  }
0x83: {  	_ =	shalt  }
0x84: {  	_ =	shalt  }
0x85: {  	_ =	shalt  }
0x86: {  	_ =	shalt  }
0x87: {  	_ =	shalt  }
.Lfunc_end0:
.L_simem_size_0:
called_computation.2_lowered:
.L_overlay_start_0:
0x88: {  	s2 =	sld [smem:$0x3FD9]  }
0x89: {  	s3 =	sld [smem:$0x3FFE];
	_ =	sdelay $0x1  }
0x8a: {  	s1 =	srdreg.scid  }
0x8b: {  	s0 =	sand.u32 $0x1, s1  }
0x8c: {  	s16 =	sshll.u32 s0, $0xA;
	s2 =	sadd.s32 s3, s2  }
0x8d: {  	s2 =	sadd.s32 s2, s16  }
0x8e: {  	[smem:$0x3FBC] =	sst s2  }
0x8f: {  	_ = 	snop  }
0x90: {  	(tm) =	ssettm $0x1  }
0x91: {  	s17 =	sld [smem:$0x3FFB];
	_ =	sdelay $0x3  }
0x92: {  	_ =	strace s17  }
0x93: {  	s2 =	sld [smem:$0x3FFC];
	_ =	sdelay $0x3  }
0x94: {  	_ =	strace s2  }
0x95: {  	s2 =	sld [smem:$0x3FFD];
	_ =	sdelay $0x3  }
0x96: {  	_ =	strace s2  }
0x97: {  	_ =	strace $0x8FFFFFFF  }
0x98: {  	s18 =	sld [smem:$0x3FDB];
	_ =	sdelay $0x1  }
0x99: {  	s19 =	simm.s32 $_scs_section_size  }
0x9a: {  	s4 =	simm.s32 $_size__tile_overlayer_lowered;
	s5 =	simm.s32 $_tile_overlayer_lowered  }
0x9b: {  	s22 =	simm.s32 $0x1BFF;
	s21 =	sshll.u32 s5, $0x1;
	s2 =	sadd.s32 s19, s18  }
0x9c: {  	s6 =	simm.s32 $0x0;
	s20 =	sshll.u32 s4, $0x1;
	s4 =	sadd.s32 s21, s2  }
0x9d: {  	[timem:s6], [sflag:s22] =	dma.local [hbm:s4], s20  }
0x9e: {  	_ =	swait.ge [sflag:s22], s20  }
0x9f: {  	s3 =	ssub.s32 $0x0, s20;
	[sflag:s22] =	ssyncset.done $0x0  }
0xa0: {  	[sflag:s22] =	ssyncadd.s32 s3;
	_ =	sdelay $0x1  }
0xa1: {  	s23 =	simm.s32 $0x1B8B  }
0xa2: {  	_ =	swait.ge [sflag:s23], $0x1  }
0xa3: {  	[sflag:s23] =	ssyncset.done $0x0  }
0xa4: {  	s25 =	simm.s32 $0x1B8E;
	s24 =	sld [smem:$0x3FFE];
	[sflag:s23] =	ssyncadd.s32 $0xFFFFFFFF  }
0xa5: {  	s26 =	simm.s32 $execute0_lowered;
	[smem:$0x3FD2] =	sst s25  }
0xa6: {  	s4 =	sshll.u32 s26, $0x1;
	_ =	strace $0x8000004C;
	[dreg:$0x1] =	wrdreg $0xFFFFFFFF  }
0xa7: {  	s28 =	simm.s32 $_size_execute0_lowered;
	s2 =	sadd.s32 s2, s4;
	[dreg:$0x0] =	wrdreg $0x0  }
0xa8: {  	s4 =	sshll.u32 s28, $0x1;
	[dreg:$0x2] =	wrdreg s2  }
0xa9: {  	[dreg:$0x3] =	wrdreg s4  }
0xaa: {  	[dreg:$0x4] =	wrdreg $0xC0  }
0xab: {  	_ =	task [dreg:s6], $0x5FFFF  }
0xac: {  	[dreg:$0x1] =	wrdreg $0xFFFFFFFF  }
0xad: {  	[dreg:$0x0] =	wrdreg $0x60  }
0xae: {  	[dreg:$0x2] =	wrdreg s24  }
0xaf: {  	[dreg:$0x3] =	wrdreg $0x88000  }
0xb0: {  	[dreg:$0x4] =	wrdreg $0x9  }
0xb1: {  	_ =	task.clear_ibuf [dreg:s6], $0x5FFFF;
	_ =	strace $0x9000004C  }
0xb2: {  	s29 =	simm.s32 $0x9;
	_ =	strace $0x8000004E  }
0xb3: {  	_ =	swait.ge [sflag:s29], $0x1  }
0xb4: {  	[sflag:s29] =	ssyncadd.s32 $0xFFFFFFFF  }
0xb5: {  	_ =	strace $0x9000004E  }
0xb6: {  	_ =	sfence  }
0xb7: {  	s30 =	sld [smem:$0x0];
	_ =	sdelay $0x2  }
0xb8: {  	s31 =	sshll.u32 s1, $0xD;
	s1 =	sshrl.u32 s1, $0x2  }
0xb9: {  	s3 =	sand.u32 $0x4000, s31;
	s1 =	sadd.s32 s1, s30  }
0xba: {  	s0 =	sor.u32 s3, s0;
	s1 =	sshll.u32 s1, $0x11  }
0xbb: {  	s0 =	sor.u32 s1, s0  }
0xbc: {  	s0 =	sadd.s32 $0x8F2B, s0  }
0xbd: {  	[sflag:s0] =	ssyncadd.remote.s32 $0x1  }
0xbe: {  	_ =	sfence.sel $0xFFFF  }
0xbf: {  	[dreg:$0x0] =	wrdreg $0xFFFFFFFF;
	(pc) =	sbr.abs _section_cstart, $3  }
0xc0: {  	[dreg:$0x1] =	wrdreg $0xFFFFFFFF  }
0xc1: {  	_ =	task.clear_ibuf [dreg:s6], $0x2FFFF;
	_ =	strace $0x9FFFFFFF  }
0xc2: {  	(tm) =	ssettm $0x7FFFFFFF  }
0xc3: {  	_ =	shalt  }
tec
execute0_lowered:
.L_overlay_start_1:
0x0: {  	(tag) =	ssettag $0x1  }
0x1: {  	s0 =	rddreg [dreg:$0x0]  }
0x2: {  	s2 =	rddreg [dreg:$0x1];
	s3 =	simm.s32 $0x0  }
0x3: {  	s1 =	srdreg.scid;
	s10 =	stileid.u32;
	s11 =	simm.s32 $0x2  }
0x4: {  	s12 =	simm.s32 $0x400;
	s13 =	simm.s32 $0x80;
	s14 =	simm.s32 $0x800  }
0x5: {  	s15 =	simm.s32 $0x4800;
	s16 =	simm.s32 $0x1;
	s17 =	simm.s32 $0x100  }
0x6: {  	s18 =	simm.s32 $0x480;
	s19 =	simm.s32 $0x180;
	s20 =	simm.s32 $0x500  }
0x7: {  	s28 =	simm.s32 $0x680;
	s29 =	simm.s32 $0x380;
	s30 =	simm.s32 $0x700  }
0x8: {  	s31 =	simm.s32 $0x780;
	s7 =	sand.u32 $0x1, s1;
	s1 =	smul.u32 $0x98, s10  }
0x9: {  	s4 =	sshll.u32 s10, $0x3;
	[smem:$0x7FF] =	sst s3;
	s8 =	smul.u32 $0x4F000, s10  }
0xa: {  	s9 =	sadd.s32 $0x66000, s0;
	s24 =	sshll.u32 s10, $0x6;
	s26 =	smul.u32 $0x2780, s10  }
0xb: {  	p0 =	seq.s32 s7, $0x0;
	s5 =	sor.u32 $0x980, s4;
	_ =	strace $0x8000004D  }
0xc: {  	s4 =	sadd.s32 $0x3EE00, s0;
	s21 =	smul.u32 $0x27800, s7;
	s6 =	ssub.s32 $0x2, s7  }
0xd: {  	[dreg:$0x3] =	wrdreg s9;
	s5 =	smov.u32 @p0 s1;
	s22 =	sshrl.u32 s6, $0x1  }
0xe: {  	s23 =	sshrl.u32 s8, $0x2;
	p0 =	sne.s32 s7, $0x0;
	s1 =	sshll.u32 s5, $0x4  }
0xf: {  	s5 =	ssub.s32 s6, s22;
	s25 =	sadd.s32 s23, s2;
	s6 =	sor.u32 $0x1C02, s24  }
0x10: {  	s22 =	simm.s32 $0x580;
	s23 =	simm.s32 $0x280;
	s1 =	sadd.s32 s1, s0  }
0x11: {  	s0 =	sadd.s32 s21, s0;
	s5 =	smax.u32 s5, $0x1;
	s10 =	sshrl.u32 s25, $0x3  }
0x12: {  	s21 =	simm.s32 $0x200;
	s25 =	simm.s32 $0x600;
	s0 =	sadd.s32 $0xB6C00, s0  }
0x13: {  	[dreg:$0x4] =	wrdreg s5;
	s5 =	sadd.s32 $0x3C00, s1;
	s1 =	sadd.s32 $0xDC00, s1  }
0x14: {  	s24 =	sadd.s32 s26, s0;
	s26 =	simm.s32 $0x300;
	s0 =	simm.s32 $0x0  }
.LBB2_1:
0x15: {  	s7 =	rddreg [dreg:$0x3]  }
0x16: {  	[spmem:s10], [sflag:s6] =	dma.local [hbm:s7], $0x2780  }
0x17: {  	_ =	swait.ge [sflag:s11], $0x2780  }
0x18: {  	[sflag:s11] =	ssyncset.done $0x0  }
0x19: {  	s9 =	smov.u32 s1;
	[sflag:s11] =	ssyncadd.s32 $0xFFFFD880  }
0x1a: {  	s8 =	smov.u32 s5;
	s7 =	simm.s32 $0x0;
	[bflag:$0x0] =	sbarrier.arrive $0xFFFF  }
.LBB2_2:
0x1b: {  	[tilespmem:s3], [sflag:$0x2] =	stream.linear.gather [hbm4b:s9+s3], $0x400, $0x38;
	[tilespmem:$0x1C400] =	vst v63  }
0x1c: {  	_ =	swait.ge [sflag:s11], $0x400  }
0x1d: {  	[sflag:s11] =	ssyncset.done $0x0  }
0x1e: {  	[sflag:s11] =	ssyncadd.s32 $0xFFFFFC00  }
0x1f: {  	[tilespmem:s12], [sflag:$0x2] =	stream.linear.gather [hbm4b:s8+s3], $0x400, $0x38;
	[tilespmem:$0x1C400] =	vst v63  }
0x20: {  	_ =	swait.ge [sflag:s11], $0x400  }
0x21: {  	[sflag:s11] =	ssyncset.done $0x0  }
0x22: {  	[sflag:s11] =	ssyncadd.s32 $0xFFFFFC00  }
0x23: {  	[tilespmem:s14], [sflag:$0x1] =	stream.indirect.gather [hbm4b:s4+s13], $0x80, s3, s13, $0xb8;
	[tilespmem:$0x1C400] =	vst v63  }
0x24: {  	_ = 	snop  }
0x25: {  	[tilespmem:s15], [sflag:$0x1] =	stream.indirect.gather [hbm4b:s4+s13], $0x80, s13, s13, $0xb8;
	[tilespmem:$0x1C400] =	vst v63  }
0x26: {  	_ =	swait.ge [sflag:s16], $0x4000  }
0x27: {  	[sflag:s16] =	ssyncset.done $0x0  }
0x28: {  	[sflag:s16] =	ssyncadd.s32 $0xFFFFC000  }
0x29: {  	[spmem:s2] =	stream.indirect.scatter.add.f32 [tilespmem:s14], [sflag:$0x2], $0x80, s12, s13, $0xb8;
	[tilespmem:$0x1C400] =	vst v63  }
0x2a: {  	_ =	swait.ge [sflag:s11], $0x4000  }
0x2b: {  	[sflag:s11] =	ssyncset.done $0x0  }
0x2c: {  	[sflag:s11] =	ssyncadd.s32 $0xFFFFC000  }
0x2d: {  	[tilespmem:s14], [sflag:$0x1] =	stream.indirect.gather [hbm4b:s4+s13], $0x80, s17, s13, $0xb8;
	[tilespmem:$0x1C400] =	vst v63  }
0x2e: {  	_ =	swait.ge [sflag:s16], $0x4000  }
0x2f: {  	[sflag:s16] =	ssyncset.done $0x0  }
0x30: {  	[sflag:s16] =	ssyncadd.s32 $0xFFFFC000  }
0x31: {  	[spmem:s2] =	stream.indirect.scatter.add.f32 [tilespmem:s15], [sflag:$0x2], $0x80, s18, s13, $0xb8;
	[tilespmem:$0x1C400] =	vst v63  }
0x32: {  	_ =	swait.ge [sflag:s11], $0x4000  }
0x33: {  	[sflag:s11] =	ssyncset.done $0x0  }
0x34: {  	[sflag:s11] =	ssyncadd.s32 $0xFFFFC000  }
0x35: {  	[tilespmem:s15], [sflag:$0x1] =	stream.indirect.gather [hbm4b:s4+s13], $0x80, s19, s13, $0xb8;
	[tilespmem:$0x1C400] =	vst v63  }
0x36: {  	_ =	swait.ge [sflag:s16], $0x4000  }
0x37: {  	[sflag:s16] =	ssyncset.done $0x0  }
0x38: {  	[sflag:s16] =	ssyncadd.s32 $0xFFFFC000  }
0x39: {  	[spmem:s2] =	stream.indirect.scatter.add.f32 [tilespmem:s14], [sflag:$0x2], $0x80, s20, s13, $0xb8;
	[tilespmem:$0x1C400] =	vst v63  }
0x3a: {  	_ =	swait.ge [sflag:s11], $0x4000  }
0x3b: {  	[sflag:s11] =	ssyncset.done $0x0  }
0x3c: {  	[sflag:s11] =	ssyncadd.s32 $0xFFFFC000  }
0x3d: {  	[tilespmem:s14], [sflag:$0x1] =	stream.indirect.gather [hbm4b:s4+s13], $0x80, s21, s13, $0xb8;
	[tilespmem:$0x1C400] =	vst v63  }
0x3e: {  	_ =	swait.ge [sflag:s16], $0x4000  }
0x3f: {  	[sflag:s16] =	ssyncset.done $0x0  }
0x40: {  	[sflag:s16] =	ssyncadd.s32 $0xFFFFC000  }
0x41: {  	[spmem:s2] =	stream.indirect.scatter.add.f32 [tilespmem:s15], [sflag:$0x2], $0x80, s22, s13, $0xb8;
	[tilespmem:$0x1C400] =	vst v63  }
0x42: {  	_ =	swait.ge [sflag:s11], $0x4000  }
0x43: {  	[sflag:s11] =	ssyncset.done $0x0  }
0x44: {  	[sflag:s11] =	ssyncadd.s32 $0xFFFFC000  }
0x45: {  	[tilespmem:s15], [sflag:$0x1] =	stream.indirect.gather [hbm4b:s4+s13], $0x80, s23, s13, $0xb8;
	[tilespmem:$0x1C400] =	vst v63  }
0x46: {  	_ =	swait.ge [sflag:s16], $0x4000  }
0x47: {  	[sflag:s16] =	ssyncset.done $0x0  }
0x48: {  	[sflag:s16] =	ssyncadd.s32 $0xFFFFC000  }
0x49: {  	[spmem:s2] =	stream.indirect.scatter.add.f32 [tilespmem:s14], [sflag:$0x2], $0x80, s25, s13, $0xb8;
	[tilespmem:$0x1C400] =	vst v63  }
0x4a: {  	_ =	swait.ge [sflag:s11], $0x4000  }
0x4b: {  	[sflag:s11] =	ssyncset.done $0x0  }
0x4c: {  	[sflag:s11] =	ssyncadd.s32 $0xFFFFC000  }
0x4d: {  	[tilespmem:s14], [sflag:$0x1] =	stream.indirect.gather [hbm4b:s4+s13], $0x80, s26, s13, $0xb8;
	[tilespmem:$0x1C400] =	vst v63  }
0x4e: {  	_ =	swait.ge [sflag:s16], $0x4000  }
0x4f: {  	[sflag:s16] =	ssyncset.done $0x0  }
0x50: {  	[sflag:s16] =	ssyncadd.s32 $0xFFFFC000  }
0x51: {  	[spmem:s2] =	stream.indirect.scatter.add.f32 [tilespmem:s15], [sflag:$0x2], $0x80, s28, s13, $0xb8;
	[tilespmem:$0x1C400] =	vst v63  }
0x52: {  	_ =	swait.ge [sflag:s11], $0x4000  }
0x53: {  	[sflag:s11] =	ssyncset.done $0x0  }
0x54: {  	[sflag:s11] =	ssyncadd.s32 $0xFFFFC000  }
0x55: {  	[tilespmem:s15], [sflag:$0x1] =	stream.indirect.gather [hbm4b:s4+s13], $0x80, s29, s13, $0xb8;
	[tilespmem:$0x1C400] =	vst v63  }
0x56: {  	_ =	swait.ge [sflag:s16], $0x4000  }
0x57: {  	[sflag:s16] =	ssyncset.done $0x0  }
0x58: {  	[sflag:s16] =	ssyncadd.s32 $0xFFFFC000  }
0x59: {  	[spmem:s2] =	stream.indirect.scatter.add.f32 [tilespmem:s14], [sflag:$0x2], $0x80, s30, s13, $0xb8;
	[tilespmem:$0x1C400] =	vst v63  }
0x5a: {  	_ =	swait.ge [sflag:s11], $0x4000  }
0x5b: {  	[sflag:s11] =	ssyncset.done $0x0  }
0x5c: {  	[sflag:s11] =	ssyncadd.s32 $0xFFFFC000  }
0x5d: {  	p1 =	slt.u32 @!p0 s7, $0x12;
	_ =	swait.ge [sflag:s16], $0x4000  }
0x5e: {  	p1 =	por p0, !p1;
	[sflag:s16] =	ssyncset.done $0x0  }
.Ltmp0:
0x5f: {  	[sflag:s16] =	ssyncadd.s32 $0xFFFFC000;
	(pc) =	sbr.rel @!p1 .LBB2_2-.Ltmp0, $4  }
0x60: {  	[spmem:s2] =	stream.indirect.scatter.add.f32 [tilespmem:s15], [sflag:$0x2], $0x80, s31, s13, $0xb8;
	[tilespmem:$0x1C400] =	vst v63  }
0x61: {  	_ =	swait.ge [sflag:s11], $0x4000  }
0x62: {  	s7 =	sadd.s32 $0x1, s7;
	[sflag:s11] =	ssyncset.done $0x0  }
0x63: {  	s9 =	sadd.s32 $0x80, s9;
	s8 =	sadd.s32 $0x80, s8;
	[sflag:s11] =	ssyncadd.s32 $0xFFFFC000  }
0x64: {  	[bflag:$0x0] =	sbarrier.arrive $0xFFFF  }
0x65: {  	[hbm:s24], [sflag:s6] =	dma.local [spmem:s10], $0x2780  }
0x66: {  	_ =	swait.ge [sflag:s11], $0x2780  }
0x67: {  	s0 =	sadd.s32 $0x1, s0;
	s7 =	rddreg [dreg:$0x4]  }
0x68: {  	p1 =	sne.s32 s0, s7  }
.Ltmp1:
0x69: {  	_ = 	snop;
	(pc) =	sbr.rel @p1 .LBB2_1-.Ltmp1, $3  }
0x6a: {  	_ =	sdelay $0x1  }
0x6b: {  	[sflag:s11] =	ssyncset.done $0x0  }
0x6c: {  	[sflag:s11] =	ssyncadd.s32 $0xFFFFD880  }
0x6d: {  	_ =	sfence.sel $0x180000  }
0x6e: {  	[bflag:$0x0] =	sbarrier.arrive $0xFFFF  }
0x6f: {  	_ =	strace $0x9000004D  }
0x70: {  	s0 =	stileid.u32;
	[bflag:$0x2] =	sbarrier.arrive $0xFFFF  }
0x71: {  	p0 =	sne.s32 s0, $0x0;
	s0 =	rddreg [dreg:$0x2]  }
0x72: {  	s0 =	sadd.s32 @!p0 $0x100000, s0  }
0x73: {  	[sflag:s0] =	ssyncadd.tile.s32 @!p0 $0x1;
	_ =	shalt  }
.Lfunc_end2:
_tile_overlayer_lowered:
.L_overlay_start_2:
0x74: {  	(tag) =	ssettag $0x2  }
0x75: {  	s0 =	rddreg [dreg:$0x0];
	s2 =	stileid.u32  }
0x76: {  	s1 =	rddreg [dreg:$0x1];
	p0 =	sne.s32 s2, $0x0  }
0x77: {  	s3 =	rddreg [dreg:$0x2];
	[bflag:$0x3] =	sbarrier.arrive $0xFFFF;
	s2 =	simm.s32 @!p0 $0x1C02  }
0x78: {  	[timem:s3], [sflag:s2] =	dma.local @!p0 [hbm:s0], s1  }
0x79: {  	s0 =	simm.s32 @!p0 $0x2  }
0x7a: {  	_ =	swait.ge @!p0 [sflag:s0], s1  }
0x7b: {  	s1 =	ssub.s32 @!p0 $0x0, s1;
	[sflag:s0] =	ssyncset.done @!p0 $0x0  }
0x7c: {  	[sflag:s0] =	ssyncadd.s32 @!p0 s1  }
0x7d: {  	[bflag:$0x3] =	sbarrier.arrive $0xFFFF  }
0x7e: {  	_ =	shalt  }

// kernel: kernel.8.cloned.1.call-start
scs
__scs_entry_jumppad:
0x0: {  	(pc) =	sbr.rel $0x88, $3  }
0x1: {  	(tag) =	ssettag $0x0;
	lr =	simm.s32 $0x1  }
0x2: {  	[smem:$0x3F95] =	sst lr;
	_ =	strace $0xD0000000  }
0x3: {  	_ = 	snop  }
0x4: {  	_ = 	snop  }
0x5: {  	_ = 	snop  }
0x6: {  	_ = 	snop  }
0x7: {  	_ = 	snop  }
__scs_overlays_trampoline_lowered:
0x8: {  	[smem:$0x3FA4] =	sst s0  }
0x9: {  	[smem:$0x3FA5] =	sst s1  }
0xa: {  	[smem:$0x3FA6] =	sst s2  }
0xb: {  	[smem:$0x3FA7] =	sst s3  }
0xc: {  	[smem:$0x3FA8] =	sst s4  }
0xd: {  	[smem:$0x3FA9] =	sst s5  }
0xe: {  	[smem:$0x3FAA] =	sst s6  }
0xf: {  	[smem:$0x3FAB] =	sst s7  }
0x10: {  	[smem:$0x3FAC] =	sst s8  }
0x11: {  	[smem:$0x3FAD] =	sst s9;
	s0 =	simm.s32 @!p0 $0x0  }
0x12: {  	s1 =	sld [smem:$0x3F93];
	s0 =	simm.s32 @p0 $0x1  }
0x13: {  	[smem:$0x3FAE] =	sst s0;
	s0 =	simm.s32 @!p1 $0x0  }
0x14: {  	s2 =	sld [smem:$0x3F92];
	s0 =	simm.s32 @p1 $0x1  }
0x15: {  	[smem:$0x3FAF] =	sst s0;
	s0 =	simm.s32 @!p2 $0x0  }
0x16: {  	s3 =	sld [smem:$0x3FDB];
	s0 =	simm.s32 @p2 $0x1  }
0x17: {  	s4 =	simm.s32 $0x1BF5;
	[smem:$0x3FB1] =	sst s0  }
0x18: {  	s0 =	sld [smem:$0x3F94];
	_ =	swait.ge [sflag:s4], $0x0  }
0x19: {  	s7 =	sld [smem:$0x3F95]  }
0x1a: {  	s8 =	sadd.s32 $0xFFFFE003, lr  }
0x1b: {  	s9 =	sadd.s32 $0xFFFFFEF7, lr;
	s5 =	simm.s32 $0xFFFFFFFF;
	p2 =	slt.u32 s8, $0xFFFFF086  }
0x1c: {  	p1 =	slt.u32 s9, $0xF7A;
	s5 =	simm.s32 @!p2 $0x0  }
0x1d: {  	s5 =	simm.s32 @p1 $0x1;
	p0 =	seq.s32 s7, s2  }
0x1e: {  	s7 =	smul.u32 @!p0 $0xF7A, s2;
	p2 =	seq.s32 @!p0 s5, $0x0  }
0x1f: {  	s9 =	smul.u32 $0xF7A, s1;
	s8 =	simm.s32 @!p0 $0x1BF5;
	p2 =	por !p2, p0  }
0x20: {  	[sflag:s8] =	ssyncset.s32 @!p0 $0xFFFFF086;
	s6 =	sadd.s32 @!p0 s3, s7;
	s7 =	simm.s32 @!p0 $0x108  }
0x21: {  	s3 =	sadd.s32 s3, s9;
	s6 =	sadd.s32 @!p0 $0x88, s6;
	s7 =	simm.s32 @p2 $0x1082  }
0x22: {  	[simem:s7], [sflag:s8] =	dma.local @!p0 [hbm:s6], $0xF7A  }
0x23: {  	s9 =	sor.u32 $0xD0000000, s2;
	s6 =	simm.s32 $0x108;
	_ =	swait.ge @!p0 [sflag:s8], $0x0  }
0x24: {  	s3 =	sadd.s32 $0x88, s3;
	s6 =	simm.s32 @!p1 $0x1082;
	[sflag:s4] =	ssyncset.s32 $0xFFFFF086  }
0x25: {  	[simem:s6], [sflag:s4] =	dma.local [hbm:s3], $0xF7A  }
0x26: {  	[smem:$0x3F95] =	sst s1;
	(tag) =	ssettag s2;
	_ =	strace s9  }
0x27: {  	s1 =	sld [smem:$0x3FA5]  }
0x28: {  	s2 =	sld [smem:$0x3FA6]  }
0x29: {  	s4 =	sld [smem:$0x3FA8]  }
0x2a: {  	p0 =	seq.s32 s5, $0x0;
	s5 =	sld [smem:$0x3FA9]  }
0x2b: {  	s6 =	sld [smem:$0x3FAA]  }
0x2c: {  	s7 =	sld [smem:$0x3FAB]  }
0x2d: {  	s3 =	simm.s32 $0x108;
	s8 =	sld [smem:$0x3FAC]  }
0x2e: {  	s3 =	simm.s32 @!p0 $0x1082;
	s9 =	sld [smem:$0x3FAD]  }
0x2f: {  	lr =	sadd.s32 s0, s3;
	s0 =	sld [smem:$0x3FA4]  }
0x30: {  	s3 =	sld [smem:$0x3FA7]  }
0x31: {  	[smem:$0x3FB0] =	sst s10  }
0x32: {  	s10 =	sld [smem:$0x3FAE];
	_ =	sdelay $0x3  }
0x33: {  	p0 =	seq.s32 s10, $0x1;
	s10 =	sld [smem:$0x3FB0];
	_ =	sdelay $0x3  }
0x34: {  	[smem:$0x3FB0] =	sst s10  }
0x35: {  	s10 =	sld [smem:$0x3FAF];
	_ =	sdelay $0x3  }
0x36: {  	p1 =	seq.s32 s10, $0x1;
	s10 =	sld [smem:$0x3FB0];
	_ =	sdelay $0x3  }
0x37: {  	[smem:$0x3FB0] =	sst s10  }
0x38: {  	s10 =	sld [smem:$0x3FB1]  }
0x39: {  	_ = 	snop;
	(pc) =	sbr.ind lr, $3  }
0x3a: {  	_ = 	snop  }
0x3b: {  	_ = 	snop  }
0x3c: {  	p2 =	seq.s32 s10, $0x1;
	s10 =	sld [smem:$0x3FB0]  }
0x3d: {  	_ =	shalt  }
0x3e: {  	_ =	shalt  }
0x3f: {  	_ =	shalt  }
0x40: {  	_ =	shalt  }
0x41: {  	_ =	shalt  }
0x42: {  	_ =	shalt  }
0x43: {  	_ =	shalt  }
0x44: {  	_ =	shalt  }
0x45: {  	_ =	shalt  }
0x46: {  	_ =	shalt  }
0x47: {  	_ =	shalt  }
0x48: {  	_ =	shalt  }
0x49: {  	_ =	shalt  }
0x4a: {  	_ =	shalt  }
0x4b: {  	_ =	shalt  }
0x4c: {  	_ =	shalt  }
0x4d: {  	_ =	shalt  }
0x4e: {  	_ =	shalt  }
0x4f: {  	_ =	shalt  }
0x50: {  	_ =	shalt  }
0x51: {  	_ =	shalt  }
0x52: {  	_ =	shalt  }
0x53: {  	_ =	shalt  }
0x54: {  	_ =	shalt  }
0x55: {  	_ =	shalt  }
0x56: {  	_ =	shalt  }
0x57: {  	_ =	shalt  }
0x58: {  	_ =	shalt  }
0x59: {  	_ =	shalt  }
0x5a: {  	_ =	shalt  }
0x5b: {  	_ =	shalt  }
0x5c: {  	_ =	shalt  }
0x5d: {  	_ =	shalt  }
0x5e: {  	_ =	shalt  }
0x5f: {  	_ =	shalt  }
0x60: {  	_ =	shalt  }
0x61: {  	_ =	shalt  }
0x62: {  	_ =	shalt  }
0x63: {  	_ =	shalt  }
0x64: {  	_ =	shalt  }
0x65: {  	_ =	shalt  }
0x66: {  	_ =	shalt  }
0x67: {  	_ =	shalt  }
0x68: {  	_ =	shalt  }
0x69: {  	_ =	shalt  }
0x6a: {  	_ =	shalt  }
0x6b: {  	_ =	shalt  }
0x6c: {  	_ =	shalt  }
0x6d: {  	_ =	shalt  }
0x6e: {  	_ =	shalt  }
0x6f: {  	_ =	shalt  }
0x70: {  	_ =	shalt  }
0x71: {  	_ =	shalt  }
0x72: {  	_ =	shalt  }
0x73: {  	_ =	shalt  }
0x74: {  	_ =	shalt  }
0x75: {  	_ =	shalt  }
0x76: {  	_ =	shalt  }
0x77: {  	_ =	shalt  }
0x78: {  	_ =	shalt  }
0x79: {  	_ =	shalt  }
0x7a: {  	_ =	shalt  }
0x7b: {  	_ =	shalt  }
0x7c: {  	_ =	shalt  }
0x7d: {  	_ =	shalt  }
0x7e: {  	_ =	shalt  }
0x7f: {  	_ =	shalt  }
0x80: {  	_ =	shalt  }
0x81: {  	_ =	shalt  }
0x82: {  	_ =	shalt  }
0x83: {  	_ =	shalt  }
0x84: {  	_ =	shalt  }
0x85: {  	_ =	shalt  }
0x86: {  	_ =	shalt  }
0x87: {  	_ =	shalt  }
.Lfunc_end0:
.L_simem_size_0:
called_computation_lowered:
.L_overlay_start_0:
0x88: {  	s2 =	sld [smem:$0x3FD9]  }
0x89: {  	s3 =	sld [smem:$0x3FFE];
	_ =	sdelay $0x1  }
0x8a: {  	s1 =	srdreg.scid  }
0x8b: {  	s0 =	sand.u32 $0x1, s1  }
0x8c: {  	s17 =	sshll.u32 s0, $0xA;
	s2 =	sadd.s32 s3, s2  }
0x8d: {  	s2 =	sadd.s32 s2, s17  }
0x8e: {  	[smem:$0x3FBC] =	sst s2  }
0x8f: {  	_ = 	snop  }
0x90: {  	(tm) =	ssettm $0x1  }
0x91: {  	s18 =	sld [smem:$0x3FFB];
	_ =	sdelay $0x3  }
0x92: {  	_ =	strace s18  }
0x93: {  	s2 =	sld [smem:$0x3FFC];
	_ =	sdelay $0x3  }
0x94: {  	_ =	strace s2  }
0x95: {  	s2 =	sld [smem:$0x3FFD];
	_ =	sdelay $0x3  }
0x96: {  	_ =	strace s2  }
0x97: {  	_ =	strace $0x8FFFFFFF  }
0x98: {  	s19 =	sld [smem:$0x3FDB];
	_ =	sdelay $0x1  }
0x99: {  	s20 =	simm.s32 $_scs_section_size  }
0x9a: {  	s4 =	simm.s32 $_size__tile_overlayer_lowered;
	s5 =	simm.s32 $_tile_overlayer_lowered  }
0x9b: {  	s6 =	simm.s32 $0x1BFF;
	s21 =	sshll.u32 s5, $0x1;
	s3 =	sadd.s32 s20, s19  }
0x9c: {  	s22 =	simm.s32 $0x0;
	s4 =	sshll.u32 s4, $0x1;
	s5 =	sadd.s32 s21, s3  }
0x9d: {  	[timem:s22], [sflag:s6] =	dma.local [hbm:s5], s4  }
0x9e: {  	_ =	swait.ge [sflag:s6], s4  }
0x9f: {  	s4 =	ssub.s32 $0x0, s4;
	[sflag:s6] =	ssyncset.done $0x0  }
0xa0: {  	[sflag:s6] =	ssyncadd.s32 s4;
	_ =	sdelay $0x1  }
0xa1: {  	s23 =	simm.s32 $0x1B8B  }
0xa2: {  	_ =	swait.ge [sflag:s23], $0x1  }
0xa3: {  	[sflag:s23] =	ssyncset.done $0x0  }
0xa4: {  	[sflag:s23] =	ssyncadd.s32 $0xFFFFFFFF  }
0xa5: {  	s4 =	sld [smem:$0x0]  }
0xa6: {  	s5 =	sand.u32 $0xFFFFFFFE, s1  }
0xa7: {  	p0 =	sne.s32 s1, s5  }
0xa8: {  	s5 =	sshll.u32 @p0 s5, $0xE  }
0xa9: {  	s5 =	sadd.s32 @p0 $0x11B8D, s5;
	s6 =	sshll.u32 @p0 s4, $0x11  }
0xaa: {  	s5 =	sor.u32 @p0 s6, s5  }
0xab: {  	[sflag:s5] =	ssyncadd.remote.s32 @p0 $0x1;
	_ =	sdelay $0x1  }
0xac: {  	s5 =	simm.s32 @p0 $0x1B8D  }
0xad: {  	_ =	swait.eq @p0 [sflag:s5], $0x1  }
0xae: {  	[sflag:s5] =	ssyncadd.s32 @p0 $0xFFFFFFFF  }
0xaf: {  	s6 =	sshll.u32 @!p0 s1, $0xE  }
0xb0: {  	s6 =	sor.u32 @!p0 $0x4000, s6;
	s5 =	simm.s32 @!p0 $0x1B8D  }
0xb1: {  	s4 =	sshll.u32 @!p0 s4, $0x11;
	s6 =	sadd.s32 @!p0 $0x11B8D, s6;
	_ =	swait.eq @!p0 [sflag:s5], $0x1  }
0xb2: {  	s4 =	sor.u32 @!p0 s4, s6;
	[sflag:s5] =	ssyncadd.s32 @!p0 $0xFFFFFFFF  }
0xb3: {  	s25 =	simm.s32 $0x1B8E;
	s24 =	sld [smem:$0x3FFE];
	[sflag:s4] =	ssyncadd.remote.s32 @!p0 $0x1  }
0xb4: {  	s26 =	simm.s32 $execute0_lowered;
	[smem:$0x3FD2] =	sst s25  }
0xb5: {  	s5 =	sshll.u32 s26, $0x1;
	_ =	strace $0x80000049;
	[dreg:$0x1] =	wrdreg $0xFFFFFFFF  }
0xb6: {  	s28 =	simm.s32 $_size_execute0_lowered;
	s3 =	sadd.s32 s3, s5;
	[dreg:$0x0] =	wrdreg $0x0  }
0xb7: {  	s5 =	sshll.u32 s28, $0x1;
	[dreg:$0x2] =	wrdreg s3  }
0xb8: {  	[dreg:$0x3] =	wrdreg s5  }
0xb9: {  	[dreg:$0x4] =	wrdreg $0xC0  }
0xba: {  	_ =	task [dreg:s22], $0x5FFFF  }
0xbb: {  	[dreg:$0x1] =	wrdreg $0xFFFFFFFF  }
0xbc: {  	[dreg:$0x0] =	wrdreg $0x60  }
0xbd: {  	[dreg:$0x2] =	wrdreg s24  }
0xbe: {  	[dreg:$0x3] =	wrdreg $0x68000  }
0xbf: {  	[dreg:$0x4] =	wrdreg $0x9  }
0xc0: {  	_ =	task.clear_ibuf [dreg:s22], $0x5FFFF;
	_ =	strace $0x90000049  }
0xc1: {  	s29 =	simm.s32 $0x9;
	_ =	strace $0x8000004B  }
0xc2: {  	_ =	swait.ge [sflag:s29], $0x1  }
0xc3: {  	[sflag:s29] =	ssyncadd.s32 $0xFFFFFFFF  }
0xc4: {  	_ =	strace $0x9000004B  }
0xc5: {  	_ =	sfence  }
0xc6: {  	s30 =	sld [smem:$0x0];
	_ =	sdelay $0x2  }
0xc7: {  	s31 =	sshll.u32 s1, $0xD;
	s1 =	sshrl.u32 s1, $0x2  }
0xc8: {  	s4 =	sand.u32 $0x4000, s31;
	s1 =	sadd.s32 s1, s30  }
0xc9: {  	s0 =	sor.u32 s4, s0;
	s1 =	sshll.u32 s1, $0x11  }
0xca: {  	s0 =	sor.u32 s1, s0  }
0xcb: {  	s0 =	sadd.s32 $0x8F2B, s0  }
0xcc: {  	[sflag:s0] =	ssyncadd.remote.s32 $0x1  }
0xcd: {  	_ =	sfence.sel $0xFFFF  }
0xce: {  	[dreg:$0x0] =	wrdreg $0xFFFFFFFF;
	(pc) =	sbr.abs _section_cstart, $3  }
0xcf: {  	[dreg:$0x1] =	wrdreg $0xFFFFFFFF  }
0xd0: {  	_ =	task.clear_ibuf [dreg:s22], $0x2FFFF;
	_ =	strace $0x9FFFFFFF  }
0xd1: {  	(tm) =	ssettm $0x7FFFFFFF  }
tec
execute0_lowered:
.L_overlay_start_1:
0x0: {  	(tag) =	ssettag $0x1  }
0x1: {  	s1 =	srdreg.scid;
	s6 =	rddreg [dreg:$0x0]  }
0x2: {  	s0 =	stileid.u32;
	s2 =	rddreg [dreg:$0x1];
	s3 =	simm.s32 $0x0  }
0x3: {  	s12 =	simm.s32 $0x80;
	s5 =	sand.u32 $0x1, s1;
	s1 =	rddreg [dreg:$0x2]  }
0x4: {  	s28 =	sshll.u32 s0, $0x1;
	[smem:$0x7FF] =	sst s3;
	s10 =	smul.u32 $0x4F000, s0  }
0x5: {  	s31 =	sshll.u32 s0, $0x6;
	s14 =	smul.u32 $0x2780, s0;
	s4 =	sor.u32 s5, s28  }
0x6: {  	_ =	strace $0x8000004A;
	s8 =	smul.u32 $0x27800, s5;
	s9 =	ssub.s32 $0x2, s5  }
0x7: {  	s5 =	sadd.s32 $0xB7800, s6;
	s4 =	smul.u32 $0x500, s4;
	s29 =	sshrl.u32 s9, $0x1  }
0x8: {  	s30 =	sshrl.u32 s10, $0x2;
	s10 =	simm.s32 $0x1;
	s8 =	sadd.s32 s8, s6  }
0x9: {  	s9 =	ssub.s32 s9, s29;
	s11 =	sadd.s32 s30, s2;
	s7 =	sadd.s32 s4, s6  }
0xa: {  	s4 =	sadd.s32 $0x66000, s6;
	s6 =	sor.u32 $0x1C01, s31;
	s13 =	sadd.s32 $0xB8000, s8  }
0xb: {  	s8 =	smax.u32 s9, $0x1;
	s9 =	sshrl.u32 s11, $0x3;
	s11 =	simm.s32 $0x2800  }
0xc: {  	s7 =	sadd.s32 $0x3C00, s7;
	s13 =	sadd.s32 s14, s13;
	s14 =	simm.s32 $0x0  }
.LBB2_1:
0xd: {  	[spmem:s9], [sflag:s6] =	dma.local [hbm:s4], $0x2780  }
0xe: {  	_ =	swait.ge [sflag:s10], $0x2780  }
0xf: {  	[sflag:s10] =	ssyncset.done $0x0  }
0x10: {  	[sflag:s10] =	ssyncadd.s32 $0xFFFFD880  }
0x11: {  	[tilespmem:s11], [sflag:$0x1] =	stream.linear.gather [hbm4b:s5+s3], $0x4000, $0x38;
	[tilespmem:$0x1A400] =	vst v63  }
0x12: {  	_ =	swait.ge [sflag:s10], $0x4000  }
0x13: {  	[sflag:s10] =	ssyncset.done $0x0  }
0x14: {  	[sflag:s10] =	ssyncadd.s32 $0xFFFFC000  }
0x15: {  	[tilespmem:s3], [sflag:$0x1] =	stream.linear.gather [hbm4b:s7+s3], $0x2800, $0x38;
	[tilespmem:$0x1A400] =	vst v63  }
0x16: {  	_ =	swait.ge [sflag:s10], $0x2800  }
0x17: {  	[sflag:s10] =	ssyncset.done $0x0  }
0x18: {  	[sflag:s10] =	ssyncadd.s32 $0xFFFFD800  }
0x19: {  	s15 =	simm.s32 $0x0;
	[bflag:$0x0] =	sbarrier.arrive $0xFFFF  }
0x1a: {  	[spmem:s2] =	stream.indirect.scatter.add.f32 [tilespmem:s11], [sflag:$0x1], $0x80, s15, s12, $0xb8;
	[tilespmem:$0x1A400] =	vst v63  }
0x1b: {  	_ =	swait.ge [sflag:s10], $0x4000  }
0x1c: {  	s15 =	simm.s32 $0x200;
	[sflag:s10] =	ssyncset.done $0x0  }
.LBB2_2:
0x1d: {  	s16 =	sshra.s32 s15, $0x2;
	[sflag:s10] =	ssyncadd.s32 $0xFFFFC000;
	p0 =	sne.s32 s15, $0x9E00  }
0x1e: {  	[spmem:s2] =	stream.indirect.scatter.add.f32 [tilespmem:s11], [sflag:$0x1], $0x80, s16, s12, $0xb8;
	[tilespmem:$0x1A400] =	vst v63  }
.Ltmp0:
0x1f: {  	_ = 	snop;
	(pc) =	sbr.rel @p0 .LBB2_2-.Ltmp0, $4  }
0x20: {  	_ = 	snop  }
0x21: {  	s15 =	sadd.s32 $0x200, s15  }
0x22: {  	_ =	swait.ge [sflag:s10], $0x4000  }
0x23: {  	[sflag:s10] =	ssyncset.done $0x0  }
0x24: {  	s14 =	sadd.s32 $0x1, s14  }
0x25: {  	[sflag:s10] =	ssyncadd.s32 $0xFFFFC000;
	p0 =	sne.s32 s14, s8  }
.Ltmp1:
0x26: {  	[bflag:$0x0] =	sbarrier.arrive $0xFFFF;
	(pc) =	sbr.rel @p0 .LBB2_1-.Ltmp1, $4  }
0x27: {  	[hbm:s13], [sflag:s6] =	dma.local [spmem:s9], $0x2780  }
0x28: {  	_ =	swait.ge [sflag:s10], $0x2780  }
0x29: {  	[sflag:s10] =	ssyncset.done $0x0  }
0x2a: {  	[sflag:s10] =	ssyncadd.s32 $0xFFFFD880  }
0x2b: {  	_ =	sfence.sel $0x180000  }
0x2c: {  	[bflag:$0x0] =	sbarrier.arrive $0xFFFF  }
0x2d: {  	p0 =	sne.s32 s0, $0x0;
	_ =	strace $0x9000004A  }
0x2e: {  	s0 =	sadd.s32 @!p0 $0x100000, s1;
	[bflag:$0x2] =	sbarrier.arrive $0xFFFF  }
0x2f: {  	[sflag:s0] =	ssyncadd.tile.s32 @!p0 $0x1;
	_ =	shalt  }
.Lfunc_end2:
_tile_overlayer_lowered:
.L_overlay_start_2:
0x30: {  	(tag) =	ssettag $0x2  }
0x31: {  	s0 =	rddreg [dreg:$0x0];
	s2 =	stileid.u32  }
0x32: {  	s1 =	rddreg [dreg:$0x1];
	p0 =	sne.s32 s2, $0x0  }
0x33: {  	s3 =	rddreg [dreg:$0x2];
	[bflag:$0x3] =	sbarrier.arrive $0xFFFF;
	s2 =	simm.s32 @!p0 $0x1C01  }
0x34: {  	[timem:s3], [sflag:s2] =	dma.local @!p0 [hbm:s0], s1  }
0x35: {  	s0 =	simm.s32 @!p0 $0x1  }
0x36: {  	_ =	swait.ge @!p0 [sflag:s0], s1  }
0x37: {  	s1 =	ssub.s32 @!p0 $0x0, s1;
	[sflag:s0] =	ssyncset.done @!p0 $0x0  }
0x38: {  	[sflag:s0] =	ssyncadd.s32 @!p0 s1  }
0x39: {  	[bflag:$0x3] =	sbarrier.arrive $0xFFFF  }
0x3a: {  	_ =	shalt  }

</sc_bundles>
